<compile_context>
chip_gen: v7x
topology: tpu7x:2x2x1
jax: 0.10.2.dev20260603
libtpu: 0.0.44.dev20260713+nightly
codegen_flags: <defaults>
</compile_context>

<pallas_src>
import functools

import jax
import jax.numpy as jnp
from jax import lax
from jax.experimental import pallas as pl
from jax.experimental.pallas import tpu as pltpu
from jax.experimental.pallas import tpu_sc as plsc

N = 10000
E = 320000
HEADS = 4
HIDDEN = 64
HC = HEADS * HIDDEN
NUM_GRAPHS = 64
NC, NS = 2, 16

ROW12 = 144
C12 = 160
ROW3 = 80
C3 = 400



def _edge_body12(haug0, haug1, bdst0, bdst1, src_h, dst_h, zrows, out,
                 idxs, idxd, rows, brow, acc, sem1, sem2):
    c = lax.axis_index("c")
    s = lax.axis_index("s")
    sb = pl.multiple_of(s * 640, 8)

    @pl.when(s < NS - 1)
    def _():
        pltpu.sync_copy(zrows.at[pl.ds(sb, 640)], acc.at[pl.ds(sb, 640)])

    @pl.when(s == NS - 1)
    def _():
        pltpu.sync_copy(zrows.at[pl.ds(9600, 400)], acc.at[pl.ds(9600, 400)])

    plsc.subcore_barrier()

    ept = E // NS

    def chunk(k, carry):
        base = pl.multiple_of(s * ept + k * C12, 8)
        pltpu.sync_copy(src_h.at[pl.ds(base, C12)], idxs)
        pltpu.sync_copy(dst_h.at[pl.ds(base, C12)], idxd)

        @pl.when(c == 0)
        def _():
            pltpu.async_copy(haug0.at[idxs], rows, sem1).wait()

        @pl.when(c == 1)
        def _():
            pltpu.async_copy(haug1.at[idxs], rows, sem1).wait()

        @pl.when(c == 0)
        def _():
            pltpu.async_copy(bdst0.at[idxd], brow, sem2).wait()

        @pl.when(c == 1)
        def _():
            pltpu.async_copy(bdst1.at[idxd], brow, sem2).wait()

        def scale(j, carry2):
            q = rows[j, pl.ds(128, 16)] + brow[j, pl.ds(0, 16)]
            p16 = jnp.exp(jnp.where(q >= 0.0, q, 0.2 * q))
            rows[j, pl.ds(128, 16)] = p16
            p0 = p16[0]
            p1 = p16[1]
            for g in range(8):
                sl = pl.ds(g * 16, 16)
                rows[j, sl] = rows[j, sl] * (p0 if g < 4 else p1)
            return carry2

        lax.fori_loop(0, C12, scale, 0)

        pltpu.sync_copy(rows, acc.at[idxd], add=True)
        return carry

    lax.fori_loop(0, ept // C12, chunk, 0)
    plsc.subcore_barrier()
    ob = pl.multiple_of(c * N + sb, 8)

    @pl.when(s < NS - 1)
    def _():
        pltpu.sync_copy(acc.at[pl.ds(sb, 640)], out.at[pl.ds(ob, 640)])

    @pl.when(s == NS - 1)
    def _():
        pltpu.sync_copy(acc.at[pl.ds(9600, 400)],
                        out.at[pl.ds(pl.multiple_of(c * N + 9600, 8), 400)])


@functools.cache
def _mesh():
    return plsc.VectorSubcoreMesh(core_axis_name="c", subcore_axis_name="s",
                                  num_cores=NC, num_subcores=NS)


@functools.cache
def _edge12_kernel():
    return pl.kernel(
        _edge_body12,
        out_type=jax.ShapeDtypeStruct((NC * N, ROW12), jnp.float32),
        mesh=_mesh(),
        compiler_params=pltpu.CompilerParams(use_tc_tiling_on_sc=False),
        scratch_types=[
            pltpu.VMEM((C12,), jnp.int32),
            pltpu.VMEM((C12,), jnp.int32),
            pltpu.VMEM((C12, ROW12), jnp.float32),
            pltpu.VMEM((C12, 16), jnp.float32),
            pltpu.VMEM_SHARED((N, ROW12), jnp.float32),
            pltpu.SemaphoreType.DMA,
            pltpu.SemaphoreType.DMA,
        ],
    )


def _edge12(*args):
    return _edge12_kernel()(*args)


def _edge_body3(haug, bdst, src_h, dst_h, zrows, out,
                idxs, idxd, rows, brow, acc, sem1, sem2):
    c = lax.axis_index("c")
    s = lax.axis_index("s")
    sb = pl.multiple_of(s * 640, 8)

    @pl.when(s < NS - 1)
    def _():
        pltpu.sync_copy(zrows.at[pl.ds(sb, 640)], acc.at[pl.ds(sb, 640)])

    @pl.when(s == NS - 1)
    def _():
        pltpu.sync_copy(zrows.at[pl.ds(9600, 400)], acc.at[pl.ds(9600, 400)])

    plsc.subcore_barrier()

    w = s * NC + c
    ept = E // (NC * NS)

    def chunk(k, carry):
        base = pl.multiple_of(w * ept + k * C3, 8)
        pltpu.sync_copy(src_h.at[pl.ds(base, C3)], idxs)
        pltpu.sync_copy(dst_h.at[pl.ds(base, C3)], idxd)
        pltpu.async_copy(haug.at[idxs], rows, sem1).wait()
        pltpu.async_copy(bdst.at[idxd], brow, sem2).wait()

        def scale(j, carry2):
            q = rows[j, pl.ds(64, 16)] + brow[j, pl.ds(0, 16)]
            p16 = jnp.exp(jnp.where(q >= 0.0, q, 0.2 * q))
            rows[j, pl.ds(64, 16)] = p16
            p0 = p16[0]
            for g in range(4):
                sl = pl.ds(g * 16, 16)
                rows[j, sl] = rows[j, sl] * p0
            return carry2

        lax.fori_loop(0, C3, scale, 0)

        pltpu.sync_copy(rows, acc.at[idxd], add=True)
        return carry

    lax.fori_loop(0, ept // C3, chunk, 0)
    plsc.subcore_barrier()
    ob = pl.multiple_of(c * N + sb, 8)

    @pl.when(s < NS - 1)
    def _():
        pltpu.sync_copy(acc.at[pl.ds(sb, 640)], out.at[pl.ds(ob, 640)])

    @pl.when(s == NS - 1)
    def _():
        pltpu.sync_copy(acc.at[pl.ds(9600, 400)],
                        out.at[pl.ds(pl.multiple_of(c * N + 9600, 8), 400)])


@functools.cache
def _edge3_kernel():
    return pl.kernel(
        _edge_body3,
        out_type=jax.ShapeDtypeStruct((NC * N, ROW3), jnp.float32),
        mesh=_mesh(),
        compiler_params=pltpu.CompilerParams(use_tc_tiling_on_sc=False),
        scratch_types=[
            pltpu.VMEM((C3,), jnp.int32),
            pltpu.VMEM((C3,), jnp.int32),
            pltpu.VMEM((C3, ROW3), jnp.float32),
            pltpu.VMEM((C3, 16), jnp.float32),
            pltpu.VMEM_SHARED((N, ROW3), jnp.float32),
            pltpu.SemaphoreType.DMA,
            pltpu.SemaphoreType.DMA,
        ],
    )


def _edge3(*args):
    return _edge3_kernel()(*args)


def _layer_norm(x, g, b, eps=1e-5):
    mu = jnp.mean(x, axis=-1, keepdims=True)
    var = jnp.mean((x - mu) ** 2, axis=-1, keepdims=True)
    return (x - mu) / jnp.sqrt(var + eps) * g + b


def _gat_layer12(h, asrc, adst, src, dst, bias):
    z14 = jnp.zeros((N, 14), jnp.float32)
    haug0 = jnp.concatenate([h[:, :128], asrc[:, 0:2], z14], axis=1)
    haug1 = jnp.concatenate([h[:, 128:], asrc[:, 2:4], z14], axis=1)
    z14b = jnp.zeros((N, 14), jnp.float32)
    bdst0 = jnp.concatenate([adst[:, 0:2], z14b], axis=1)
    bdst1 = jnp.concatenate([adst[:, 2:4], z14b], axis=1)
    zrows = jnp.zeros((N, ROW12), jnp.float32)
    out = _edge12(haug0, haug1, bdst0, bdst1, src, dst, zrows)
    o0, o1 = out[:N], out[N:]
    S = jnp.concatenate([o0[:, :128], o1[:, :128]], axis=1)
    D = jnp.stack([o0[:, 128], o0[:, 129], o1[:, 128], o1[:, 129]], axis=1)
    p_self = jnp.exp(jax.nn.leaky_relu(asrc + adst, 0.2))
    ps_rep = jnp.repeat(p_self, HIDDEN, axis=1)
    d_rep = jnp.repeat(D + p_self, HIDDEN, axis=1)
    return (S + ps_rep * h) / (d_rep + 1e-16) + bias


def _gat_layer3(h3, asrc, adst, src, dst, bias):
    haug = jnp.concatenate([h3, asrc, jnp.zeros((N, ROW3 - 65), jnp.float32)],
                           axis=1)
    bdst = jnp.concatenate([adst, jnp.zeros((N, 15), jnp.float32)], axis=1)
    zrows = jnp.zeros((N, ROW3), jnp.float32)
    out = _edge3(haug, bdst, src, dst, zrows)
    S = out[:N, :64] + out[N:, :64]
    D = out[:N, 64] + out[N:, 64]
    p_self = jnp.exp(jax.nn.leaky_relu(asrc + adst, 0.2))
    return (S + p_self * h3) / (D[:, None] + p_self + 1e-16) + bias


def _pool_mlp(h, batch, Wg, bg, Wg2, bg2, Wo, bo):
    onehot = (batch[None, :] == jnp.arange(NUM_GRAPHS, dtype=batch.dtype)
              [:, None]).astype(h.dtype)
    sums = onehot @ h
    counts = jnp.sum(onehot, axis=1)
    pooled = sums / jnp.maximum(counts, 1.0)[:, None]
    z = jax.nn.relu(pooled @ Wg + bg)
    z = jax.nn.relu(z @ Wg2 + bg2)
    return z @ Wo + bo


def kernel(x, edge_index, batch, W1, as1, ad1, b1, W2, as2, ad2, b2, W3, as3,
           ad3, b3, g1, be1, g2, be2, g3, be3, Wg, bg, Wg2, bg2, Wo, bo):
    src, dst = edge_index[0], edge_index[1]

    h = x @ W1
    hr = h.reshape(N, HEADS, HIDDEN)
    asrc = jnp.einsum("nhc,hc->nh", hr, as1)
    adst = jnp.einsum("nhc,hc->nh", hr, ad1)
    h = _gat_layer12(h, asrc, adst, src, dst, b1)
    h = jax.nn.elu(_layer_norm(h, g1, be1))

    h = h @ W2
    hr = h.reshape(N, HEADS, HIDDEN)
    asrc = jnp.einsum("nhc,hc->nh", hr, as2)
    adst = jnp.einsum("nhc,hc->nh", hr, ad2)
    h = _gat_layer12(h, asrc, adst, src, dst, b2)
    h = jax.nn.elu(_layer_norm(h, g2, be2))

    h3 = h @ W3
    asrc3 = (h3 * as3[0][None, :]).sum(axis=1, keepdims=True)
    adst3 = (h3 * ad3[0][None, :]).sum(axis=1, keepdims=True)
    h3 = _gat_layer3(h3, asrc3, adst3, src, dst, b3)
    h3 = jax.nn.elu(_layer_norm(h3, g3, be3))

    return _pool_mlp(h3, batch, Wg, bg, Wg2, bg2, Wo, bo)

# --- scband reference (transcript-rebuilt; emitter-appended) ---
"""Pipeline reference for scband-gat-76613626626157 (READ-ONLY COPY).

The authoritative reference and input builder live on the scoring server;
editing this copy changes nothing except your own understanding.
"""

import jax, jax.numpy as jnp
import numpy as np

N_NODES = 10000
N_EDGES = 320000
D_FEAT = 128
HIDDEN = 64
HEADS = 4
OUT_DIM = 5
NUM_GRAPHS = 64


def _layer_norm(x, g, b, eps=1e-5):
    mu = jnp.mean(x, axis=-1, keepdims=True)
    var = jnp.mean((x - mu) ** 2, axis=-1, keepdims=True)
    return (x - mu) / jnp.sqrt(var + eps) * g + b


def _gat_conv(x, src, dst, W, att_src, att_dst, bias, heads, out_ch, concat):
    N = x.shape[0]
    h = (x @ W).reshape(N, heads, out_ch)
    a_src = jnp.sum(h * att_src[None], axis=-1)
    a_dst = jnp.sum(h * att_dst[None], axis=-1)
    e = a_src[src] + a_dst[dst]
    e = jax.nn.leaky_relu(e, 0.2)
    e_max = jax.ops.segment_max(e, dst, num_segments=N)
    e_max = jnp.where(jnp.isfinite(e_max), e_max, 0.0)
    p = jnp.exp(e - e_max[dst])
    denom = jax.ops.segment_sum(p, dst, num_segments=N)
    alpha = p / (denom[dst] + 1e-16)
    msg = h[src] * alpha[:, :, None]
    out = jax.ops.segment_sum(msg, dst, num_segments=N)
    if concat:
        out = out.reshape(N, heads * out_ch)
    else:
        out = jnp.mean(out, axis=1)
    return out + bias


def setup_inputs(seed: int = 0):
    key = jax.random.key(seed)
    ks = jax.random.split(key, 20)
    def rn(k, shape, scale):
        return jax.random.normal(k, shape, jnp.float32) * scale
    x = jax.random.normal(ks[0], (N_NODES, D_FEAT), jnp.float32)
    edge_index = jax.random.randint(ks[1], (2, N_EDGES), 0, N_NODES, dtype=jnp.int32)
    batch = jnp.sort(jax.random.randint(ks[2], (N_NODES,), 0, NUM_GRAPHS, dtype=jnp.int32))
    inp = {"x": x, "edge_index": edge_index, "batch": batch}
    HC = HEADS * HIDDEN
    inp["W1"] = rn(ks[3], (D_FEAT, HC), 1.0 / np.sqrt(D_FEAT))
    inp["as1"] = rn(ks[4], (HEADS, HIDDEN), 0.1)
    inp["ad1"] = rn(ks[5], (HEADS, HIDDEN), 0.1)
    inp["b1"] = jnp.zeros((HC,), jnp.float32)
    inp["W2"] = rn(ks[6], (HC, HC), 1.0 / np.sqrt(HC))
    inp["as2"] = rn(ks[7], (HEADS, HIDDEN), 0.1)
    inp["ad2"] = rn(ks[8], (HEADS, HIDDEN), 0.1)
    inp["b2"] = jnp.zeros((HC,), jnp.float32)
    inp["W3"] = rn(ks[9], (HC, HIDDEN), 1.0 / np.sqrt(HC))
    inp["as3"] = rn(ks[10], (1, HIDDEN), 0.1)
    inp["ad3"] = rn(ks[11], (1, HIDDEN), 0.1)
    inp["b3"] = jnp.zeros((HIDDEN,), jnp.float32)
    inp["g1"] = jnp.ones((HC,), jnp.float32)
    inp["be1"] = jnp.zeros((HC,), jnp.float32)
    inp["g2"] = jnp.ones((HC,), jnp.float32)
    inp["be2"] = jnp.zeros((HC,), jnp.float32)
    inp["g3"] = jnp.ones((HIDDEN,), jnp.float32)
    inp["be3"] = jnp.zeros((HIDDEN,), jnp.float32)
    inp["Wg"] = rn(ks[12], (HIDDEN, 128), 1.0 / np.sqrt(HIDDEN))
    inp["bg"] = jnp.zeros((128,), jnp.float32)
    inp["Wg2"] = rn(ks[13], (128, 64), 1.0 / np.sqrt(128))
    inp["bg2"] = jnp.zeros((64,), jnp.float32)
    inp["Wo"] = rn(ks[14], (64, OUT_DIM), 1.0 / np.sqrt(64))
    inp["bo"] = jnp.zeros((OUT_DIM,), jnp.float32)
    return inp


def reference(x, edge_index, batch, W1, as1, ad1, b1, W2, as2, ad2, b2, W3, as3, ad3, b3, g1, be1, g2, be2, g3, be3, Wg, bg, Wg2, bg2, Wo, bo):
    N = x.shape[0]
    loops = jnp.arange(N, dtype=edge_index.dtype)
    ei = jnp.concatenate([edge_index, jnp.stack([loops, loops])], axis=1)
    src, dst = ei[0], ei[1]
    h = _gat_conv(x, src, dst, W1, as1, ad1, b1, HEADS, HIDDEN, True)
    h = _layer_norm(h, g1, be1)
    h = jax.nn.elu(h)
    h = _gat_conv(h, src, dst, W2, as2, ad2, b2, HEADS, HIDDEN, True)
    h = _layer_norm(h, g2, be2)
    h = jax.nn.elu(h)
    h = _gat_conv(h, src, dst, W3, as3, ad3, b3, 1, HIDDEN, False)
    h = _layer_norm(h, g3, be3)
    h = jax.nn.elu(h)
    sums = jax.ops.segment_sum(h, batch, num_segments=NUM_GRAPHS)
    counts = jax.ops.segment_sum(jnp.ones((N,), h.dtype), batch, num_segments=NUM_GRAPHS)
    pooled = sums / jnp.maximum(counts, 1.0)[:, None]
    z = jax.nn.relu(pooled @ Wg + bg)
    z = jax.nn.relu(z @ Wg2 + bg2)
    return z @ Wo + bo

if __name__ == "__main__":
    import jax
    _d = setup_inputs()
    print(jax.jit(kernel)(*tuple(_d.values())))

</pallas_src>

<mosaic_0001>
#map = affine_map<(d0, d1) -> (0, 0)>
#map1 = affine_map<(d0, d1) -> (0)>
module attributes {stable_mosaic.version = 14 : i64} {
  func.func @_edge_body12(%arg0: i32, %arg1: i32, %arg2: memref<10000x144xf32, #tpu.memory_space<hbm>>, %arg3: memref<10000x144xf32, #tpu.memory_space<hbm>>, %arg4: memref<10000x16xf32, #tpu.memory_space<hbm>>, %arg5: memref<10000x16xf32, #tpu.memory_space<hbm>>, %arg6: memref<320000xi32, #tpu.memory_space<hbm>>, %arg7: memref<320000xi32, #tpu.memory_space<hbm>>, %arg8: memref<10000x144xf32, #tpu.memory_space<hbm>>, %arg9: memref<20000x144xf32, #tpu.memory_space<hbm>>, %arg10: memref<160xi32, #tpu.memory_space<vmem>>, %arg11: memref<160xi32, #tpu.memory_space<vmem>>, %arg12: memref<160x144xf32, #tpu.memory_space<vmem>>, %arg13: memref<160x16xf32, #tpu.memory_space<vmem>>, %arg14: memref<10000x144xf32, #tpu.memory_space<vmem_shared>>, %arg15: memref<!tpu.dma_semaphore, #tpu.memory_space<semaphore_mem>>, %arg16: memref<!tpu.dma_semaphore, #tpu.memory_space<semaphore_mem>>) attributes {dimension_semantics = [#tpu.dimension_semantics<core_parallel>, #tpu.dimension_semantics<subcore_parallel>], iteration_bounds = array<i64: 2, 16>, scalar_prefetch = 0 : i64, scratch_operands = 7 : i64, tpu.core_type = #tpu.core_type<sc_vector_subcore>, window_params = [{transform_indices = #map}, {transform_indices = #map}, {transform_indices = #map}, {transform_indices = #map}, {transform_indices = #map1}, {transform_indices = #map1}, {transform_indices = #map}, {transform_indices = #map}]} {
    %mul3A = arith.constant 640 : i32
    %mul3A_0 = arith.muli %arg1, %mul3A : i32
    %multiple_of3A = tpu.assume_multiple %mul3A_0, 8 : i32
    %lt3A = arith.constant 15 : i32
    %lt3A_1 = arith.cmpi slt, %arg1, %lt3A : i32
    %convert_element_type3A = arith.extui %lt3A_1 : i1 to i32
    %cond3A = arith.constant 0 : i32
    %cond3A_2 = arith.cmpi ne, %convert_element_type3A, %cond3A : i32
    scf.if %cond3A_2 {
      "tpu.region"() ({
        %run_scoped3A = tpu.sem_alloc : memref<!tpu.dma_semaphore, #tpu.memory_space<semaphore_mem>>
        %dma_start3A = arith.constant 0 : i32
        %dma_start3A_26 = tpu.memref_slice %arg14[%multiple_of3A, %dma_start3A] : memref<10000x144xf32, #tpu.memory_space<vmem_shared>> -> memref<640x144xf32, #tpu.memory_space<vmem_shared>>
        %dma_start3A_27 = arith.constant 0 : i32
        %dma_start3A_28 = tpu.memref_slice %arg8[%multiple_of3A, %dma_start3A_27] : memref<10000x144xf32, #tpu.memory_space<hbm>> -> memref<640x144xf32, #tpu.memory_space<hbm>>
        tpu.enqueue_dma source(%dma_start3A_28 : memref<640x144xf32, #tpu.memory_space<hbm>>) target(%dma_start3A_26 : memref<640x144xf32, #tpu.memory_space<vmem_shared>>) target_semaphore(%run_scoped3A : memref<!tpu.dma_semaphore, #tpu.memory_space<semaphore_mem>>)
        %dma_wait3A = arith.constant 0 : i32
        %dma_wait3A_29 = tpu.memref_slice %arg14[%multiple_of3A, %dma_wait3A] : memref<10000x144xf32, #tpu.memory_space<vmem_shared>> -> memref<640x144xf32, #tpu.memory_space<vmem_shared>>
        %dma_wait3A_30 = arith.constant 0 : i32
        %dma_wait3A_31 = tpu.memref_slice %arg8[%multiple_of3A, %dma_wait3A_30] : memref<10000x144xf32, #tpu.memory_space<hbm>> -> memref<640x144xf32, #tpu.memory_space<hbm>>
        tpu.wait_dma2 semaphore(%run_scoped3A : memref<!tpu.dma_semaphore, #tpu.memory_space<semaphore_mem>>) src(%dma_wait3A_31 : memref<640x144xf32, #tpu.memory_space<hbm>>) dst(%dma_wait3A_29 : memref<640x144xf32, #tpu.memory_space<vmem_shared>>)
        tpu.yield
      }) : () -> ()
    } else {
    }
    %eq3A = arith.constant 15 : i32
    %eq3A_3 = arith.cmpi eq, %arg1, %eq3A : i32
    %convert_element_type3A_4 = arith.extui %eq3A_3 : i1 to i32
    %cond3A_5 = arith.constant 0 : i32
    %cond3A_6 = arith.cmpi ne, %convert_element_type3A_4, %cond3A_5 : i32
    scf.if %cond3A_6 {
      "tpu.region"() ({
        %run_scoped3A = tpu.sem_alloc : memref<!tpu.dma_semaphore, #tpu.memory_space<semaphore_mem>>
        %dma_start3A = arith.constant 9600 : i32
        %dma_start3A_26 = arith.constant 0 : i32
        %dma_start3A_27 = tpu.memref_slice %arg14[%dma_start3A, %dma_start3A_26] : memref<10000x144xf32, #tpu.memory_space<vmem_shared>> -> memref<400x144xf32, #tpu.memory_space<vmem_shared>>
        %dma_start3A_28 = arith.constant 9600 : i32
        %dma_start3A_29 = arith.constant 0 : i32
        %dma_start3A_30 = tpu.memref_slice %arg8[%dma_start3A_28, %dma_start3A_29] : memref<10000x144xf32, #tpu.memory_space<hbm>> -> memref<400x144xf32, #tpu.memory_space<hbm>>
        tpu.enqueue_dma source(%dma_start3A_30 : memref<400x144xf32, #tpu.memory_space<hbm>>) target(%dma_start3A_27 : memref<400x144xf32, #tpu.memory_space<vmem_shared>>) target_semaphore(%run_scoped3A : memref<!tpu.dma_semaphore, #tpu.memory_space<semaphore_mem>>)
        %dma_wait3A = arith.constant 9600 : i32
        %dma_wait3A_31 = arith.constant 0 : i32
        %dma_wait3A_32 = tpu.memref_slice %arg14[%dma_wait3A, %dma_wait3A_31] : memref<10000x144xf32, #tpu.memory_space<vmem_shared>> -> memref<400x144xf32, #tpu.memory_space<vmem_shared>>
        %dma_wait3A_33 = arith.constant 9600 : i32
        %dma_wait3A_34 = arith.constant 0 : i32
        %dma_wait3A_35 = tpu.memref_slice %arg8[%dma_wait3A_33, %dma_wait3A_34] : memref<10000x144xf32, #tpu.memory_space<hbm>> -> memref<400x144xf32, #tpu.memory_space<hbm>>
        tpu.wait_dma2 semaphore(%run_scoped3A : memref<!tpu.dma_semaphore, #tpu.memory_space<semaphore_mem>>) src(%dma_wait3A_35 : memref<400x144xf32, #tpu.memory_space<hbm>>) dst(%dma_wait3A_32 : memref<400x144xf32, #tpu.memory_space<vmem_shared>>)
        tpu.yield
      }) : () -> ()
    } else {
    }
    %barrier3A = arith.constant 0 : index
    tpu.barrier barrier_id(%barrier3A)
    %scan3A = arith.constant 0 : i32
    %scan3A_7 = arith.constant 0 : i32
    %scan3A_8 = arith.constant 125 : i32
    %scan3A_9 = arith.addi %scan3A_7, %scan3A_8 : i32
    %scan3A_10 = arith.constant 1 : i32
    scf.for %scan3A_26 = %scan3A_7 to %scan3A_9 step %scan3A_10  : i32 {
      %mul3A_27 = arith.constant 20000 : i32
      %mul3A_28 = arith.muli %arg1, %mul3A_27 : i32
      %mul3A_29 = arith.constant 160 : i32
      %mul3A_30 = arith.muli %scan3A_26, %mul3A_29 : i32
      %add3A_31 = arith.addi %mul3A_28, %mul3A_30 : i32
      %multiple_of3A_32 = tpu.assume_multiple %add3A_31, 8 : i32
      "tpu.region"() ({
        %run_scoped3A = tpu.sem_alloc : memref<!tpu.dma_semaphore, #tpu.memory_space<semaphore_mem>>
        %dma_start3A = tpu.memref_slice %arg6[%multiple_of3A_32] : memref<320000xi32, #tpu.memory_space<hbm>> -> memref<160xi32, #tpu.memory_space<hbm>>
        %dma_start3A_59 = tpu.memref_slice %arg6[%multiple_of3A_32] : memref<320000xi32, #tpu.memory_space<hbm>> -> memref<160xi32, #tpu.memory_space<hbm>>
        tpu.enqueue_dma source(%dma_start3A_59 : memref<160xi32, #tpu.memory_space<hbm>>) target(%arg10 : memref<160xi32, #tpu.memory_space<vmem>>) target_semaphore(%run_scoped3A : memref<!tpu.dma_semaphore, #tpu.memory_space<semaphore_mem>>)
        %dma_wait3A = tpu.memref_slice %arg6[%multiple_of3A_32] : memref<320000xi32, #tpu.memory_space<hbm>> -> memref<160xi32, #tpu.memory_space<hbm>>
        %dma_wait3A_60 = tpu.memref_slice %arg6[%multiple_of3A_32] : memref<320000xi32, #tpu.memory_space<hbm>> -> memref<160xi32, #tpu.memory_space<hbm>>
        tpu.wait_dma2 semaphore(%run_scoped3A : memref<!tpu.dma_semaphore, #tpu.memory_space<semaphore_mem>>) src(%dma_wait3A_60 : memref<160xi32, #tpu.memory_space<hbm>>) dst(%arg10 : memref<160xi32, #tpu.memory_space<vmem>>)
        tpu.yield
      }) : () -> ()
      "tpu.region"() ({
        %run_scoped3A = tpu.sem_alloc : memref<!tpu.dma_semaphore, #tpu.memory_space<semaphore_mem>>
        %dma_start3A = tpu.memref_slice %arg7[%multiple_of3A_32] : memref<320000xi32, #tpu.memory_space<hbm>> -> memref<160xi32, #tpu.memory_space<hbm>>
        %dma_start3A_59 = tpu.memref_slice %arg7[%multiple_of3A_32] : memref<320000xi32, #tpu.memory_space<hbm>> -> memref<160xi32, #tpu.memory_space<hbm>>
        tpu.enqueue_dma source(%dma_start3A_59 : memref<160xi32, #tpu.memory_space<hbm>>) target(%arg11 : memref<160xi32, #tpu.memory_space<vmem>>) target_semaphore(%run_scoped3A : memref<!tpu.dma_semaphore, #tpu.memory_space<semaphore_mem>>)
        %dma_wait3A = tpu.memref_slice %arg7[%multiple_of3A_32] : memref<320000xi32, #tpu.memory_space<hbm>> -> memref<160xi32, #tpu.memory_space<hbm>>
        %dma_wait3A_60 = tpu.memref_slice %arg7[%multiple_of3A_32] : memref<320000xi32, #tpu.memory_space<hbm>> -> memref<160xi32, #tpu.memory_space<hbm>>
        tpu.wait_dma2 semaphore(%run_scoped3A : memref<!tpu.dma_semaphore, #tpu.memory_space<semaphore_mem>>) src(%dma_wait3A_60 : memref<160xi32, #tpu.memory_space<hbm>>) dst(%arg11 : memref<160xi32, #tpu.memory_space<vmem>>)
        tpu.yield
      }) : () -> ()
      %eq3A_33 = arith.constant 0 : i32
      %eq3A_34 = arith.cmpi eq, %arg0, %eq3A_33 : i32
      %convert_element_type3A_35 = arith.extui %eq3A_34 : i1 to i32
      %cond3A_36 = arith.constant 0 : i32
      %cond3A_37 = arith.cmpi ne, %convert_element_type3A_35, %cond3A_36 : i32
      scf.if %cond3A_37 {
        %dma_start3A = arith.constant 0 : i32
        %dma_start3A_59 = arith.constant 0 : i32
        %dma_start3A_60 = tpu.memref_slice %arg2[%dma_start3A, %dma_start3A_59] : memref<10000x144xf32, #tpu.memory_space<hbm>> -> memref<10000x144xf32, #tpu.memory_space<hbm>>
        tpu.enqueue_indirect_dma source(%dma_start3A_60 : memref<10000x144xf32, #tpu.memory_space<hbm>>) target(%arg12 : memref<160x144xf32, #tpu.memory_space<vmem>>) offsets(%arg10 : memref<160xi32, #tpu.memory_space<vmem>>) semaphore(%arg15 : memref<!tpu.dma_semaphore, #tpu.memory_space<semaphore_mem>>)
        %dma_wait3A = arith.constant 0 : i32
        %dma_wait3A_61 = arith.constant 0 : i32
        %dma_wait3A_62 = tpu.memref_slice %arg2[%dma_wait3A, %dma_wait3A_61] : memref<10000x144xf32, #tpu.memory_space<hbm>> -> memref<10000x144xf32, #tpu.memory_space<hbm>>
        tpu.wait_indirect_dma semaphore(%arg15 : memref<!tpu.dma_semaphore, #tpu.memory_space<semaphore_mem>>) src(%dma_wait3A_62 : memref<10000x144xf32, #tpu.memory_space<hbm>>) dst(%arg12 : memref<160x144xf32, #tpu.memory_space<vmem>>)
      } else {
      }
      %eq3A_38 = arith.constant 1 : i32
      %eq3A_39 = arith.cmpi eq, %arg0, %eq3A_38 : i32
      %convert_element_type3A_40 = arith.extui %eq3A_39 : i1 to i32
      %cond3A_41 = arith.constant 0 : i32
      %cond3A_42 = arith.cmpi ne, %convert_element_type3A_40, %cond3A_41 : i32
      scf.if %cond3A_42 {
        %dma_start3A = arith.constant 0 : i32
        %dma_start3A_59 = arith.constant 0 : i32
        %dma_start3A_60 = tpu.memref_slice %arg3[%dma_start3A, %dma_start3A_59] : memref<10000x144xf32, #tpu.memory_space<hbm>> -> memref<10000x144xf32, #tpu.memory_space<hbm>>
        tpu.enqueue_indirect_dma source(%dma_start3A_60 : memref<10000x144xf32, #tpu.memory_space<hbm>>) target(%arg12 : memref<160x144xf32, #tpu.memory_space<vmem>>) offsets(%arg10 : memref<160xi32, #tpu.memory_space<vmem>>) semaphore(%arg15 : memref<!tpu.dma_semaphore, #tpu.memory_space<semaphore_mem>>)
        %dma_wait3A = arith.constant 0 : i32
        %dma_wait3A_61 = arith.constant 0 : i32
        %dma_wait3A_62 = tpu.memref_slice %arg3[%dma_wait3A, %dma_wait3A_61] : memref<10000x144xf32, #tpu.memory_space<hbm>> -> memref<10000x144xf32, #tpu.memory_space<hbm>>
        tpu.wait_indirect_dma semaphore(%arg15 : memref<!tpu.dma_semaphore, #tpu.memory_space<semaphore_mem>>) src(%dma_wait3A_62 : memref<10000x144xf32, #tpu.memory_space<hbm>>) dst(%arg12 : memref<160x144xf32, #tpu.memory_space<vmem>>)
      } else {
      }
      %eq3A_43 = arith.constant 0 : i32
      %eq3A_44 = arith.cmpi eq, %arg0, %eq3A_43 : i32
      %convert_element_type3A_45 = arith.extui %eq3A_44 : i1 to i32
      %cond3A_46 = arith.constant 0 : i32
      %cond3A_47 = arith.cmpi ne, %convert_element_type3A_45, %cond3A_46 : i32
      scf.if %cond3A_47 {
        %dma_start3A = arith.constant 0 : i32
        %dma_start3A_59 = arith.constant 0 : i32
        %dma_start3A_60 = tpu.memref_slice %arg4[%dma_start3A, %dma_start3A_59] : memref<10000x16xf32, #tpu.memory_space<hbm>> -> memref<10000x16xf32, #tpu.memory_space<hbm>>
        tpu.enqueue_indirect_dma source(%dma_start3A_60 : memref<10000x16xf32, #tpu.memory_space<hbm>>) target(%arg13 : memref<160x16xf32, #tpu.memory_space<vmem>>) offsets(%arg11 : memref<160xi32, #tpu.memory_space<vmem>>) semaphore(%arg16 : memref<!tpu.dma_semaphore, #tpu.memory_space<semaphore_mem>>)
        %dma_wait3A = arith.constant 0 : i32
        %dma_wait3A_61 = arith.constant 0 : i32
        %dma_wait3A_62 = tpu.memref_slice %arg4[%dma_wait3A, %dma_wait3A_61] : memref<10000x16xf32, #tpu.memory_space<hbm>> -> memref<10000x16xf32, #tpu.memory_space<hbm>>
        tpu.wait_indirect_dma semaphore(%arg16 : memref<!tpu.dma_semaphore, #tpu.memory_space<semaphore_mem>>) src(%dma_wait3A_62 : memref<10000x16xf32, #tpu.memory_space<hbm>>) dst(%arg13 : memref<160x16xf32, #tpu.memory_space<vmem>>)
      } else {
      }
      %eq3A_48 = arith.constant 1 : i32
      %eq3A_49 = arith.cmpi eq, %arg0, %eq3A_48 : i32
      %convert_element_type3A_50 = arith.extui %eq3A_49 : i1 to i32
      %cond3A_51 = arith.constant 0 : i32
      %cond3A_52 = arith.cmpi ne, %convert_element_type3A_50, %cond3A_51 : i32
      scf.if %cond3A_52 {
        %dma_start3A = arith.constant 0 : i32
        %dma_start3A_59 = arith.constant 0 : i32
        %dma_start3A_60 = tpu.memref_slice %arg5[%dma_start3A, %dma_start3A_59] : memref<10000x16xf32, #tpu.memory_space<hbm>> -> memref<10000x16xf32, #tpu.memory_space<hbm>>
        tpu.enqueue_indirect_dma source(%dma_start3A_60 : memref<10000x16xf32, #tpu.memory_space<hbm>>) target(%arg13 : memref<160x16xf32, #tpu.memory_space<vmem>>) offsets(%arg11 : memref<160xi32, #tpu.memory_space<vmem>>) semaphore(%arg16 : memref<!tpu.dma_semaphore, #tpu.memory_space<semaphore_mem>>)
        %dma_wait3A = arith.constant 0 : i32
        %dma_wait3A_61 = arith.constant 0 : i32
        %dma_wait3A_62 = tpu.memref_slice %arg5[%dma_wait3A, %dma_wait3A_61] : memref<10000x16xf32, #tpu.memory_space<hbm>> -> memref<10000x16xf32, #tpu.memory_space<hbm>>
        tpu.wait_indirect_dma semaphore(%arg16 : memref<!tpu.dma_semaphore, #tpu.memory_space<semaphore_mem>>) src(%dma_wait3A_62 : memref<10000x16xf32, #tpu.memory_space<hbm>>) dst(%arg13 : memref<160x16xf32, #tpu.memory_space<vmem>>)
      } else {
      }
      %scan3A_53 = arith.constant 0 : i32
      %scan3A_54 = arith.constant 0 : i32
      %scan3A_55 = arith.constant 160 : i32
      %scan3A_56 = arith.addi %scan3A_54, %scan3A_55 : i32
      %scan3A_57 = arith.constant 1 : i32
      scf.for %scan3A_59 = %scan3A_54 to %scan3A_56 step %scan3A_57  : i32 {
        %get3A = arith.index_cast %scan3A_59 : i32 to index
        %get3A_60 = arith.constant 128 : index
        %get3A_61 = tpu.vector_load %arg12[%get3A, %get3A_60] {strides = array<i32>} : memref<160x144xf32, #tpu.memory_space<vmem>>, vector<1x16xf32>,
        %get3A_62 = vector.shape_cast %get3A_61 : vector<1x16xf32> to vector<16xf32>
        %get3A_63 = arith.index_cast %scan3A_59 : i32 to index
        %get3A_64 = arith.constant 0 : index
        %get3A_65 = tpu.vector_load %arg13[%get3A_63, %get3A_64] {strides = array<i32>} : memref<160x16xf32, #tpu.memory_space<vmem>>, vector<1x16xf32>,
        %get3A_66 = vector.shape_cast %get3A_65 : vector<1x16xf32> to vector<16xf32>
        %add3A_67 = arith.addf %get3A_62, %get3A_66 : vector<16xf32>
        %ge3A = arith.constant 0.000000e+00 : f32
        %ge3A_68 = vector.broadcast %ge3A : f32 to vector<16xf32>
        %ge3A_69 = arith.cmpf oge, %add3A_67, %ge3A_68 : vector<16xf32>
        %mul3A_70 = arith.constant 2.000000e-01 : f32
        %mul3A_71 = vector.broadcast %mul3A_70 : f32 to vector<16xf32>
        %mul3A_72 = arith.mulf %mul3A_71, %add3A_67 : vector<16xf32>
        %select_n3A = arith.select %ge3A_69, %add3A_67, %mul3A_72 : vector<16xi1>, vector<16xf32>
        %exp3A = math.exp %select_n3A : vector<16xf32>
        %swap3A = arith.index_cast %scan3A_59 : i32 to index
        %swap3A_73 = arith.constant 128 : index
        %swap3A_74 = tpu.vector_load %arg12[%swap3A, %swap3A_73] {strides = array<i32>} : memref<160x144xf32, #tpu.memory_space<vmem>>, vector<1x16xf32>,
        %swap3A_75 = vector.shape_cast %swap3A_74 : vector<1x16xf32> to vector<16xf32>
        %swap3A_76 = vector.shape_cast %exp3A : vector<16xf32> to vector<1x16xf32>
        tpu.vector_store %arg12[%swap3A, %swap3A_73], %swap3A_76 {strides = array<i32>} : memref<160x144xf32, #tpu.memory_space<vmem>>, vector<1x16xf32>,
        %slice3A = vector.extract_strided_slice %exp3A {offsets = [0], sizes = [1], strides = [1]} : vector<16xf32> to vector<1xf32>
        %squeeze3A = vector.extract %slice3A[0] : f32 from vector<1xf32>
        %slice3A_77 = vector.extract_strided_slice %exp3A {offsets = [1], sizes = [1], strides = [1]} : vector<16xf32> to vector<1xf32>
        %squeeze3A_78 = vector.extract %slice3A_77[0] : f32 from vector<1xf32>
        %get3A_79 = arith.index_cast %scan3A_59 : i32 to index
        %get3A_80 = arith.constant 0 : index
        %get3A_81 = tpu.vector_load %arg12[%get3A_79, %get3A_80] {strides = array<i32>} : memref<160x144xf32, #tpu.memory_space<vmem>>, vector<1x16xf32>,
        %get3A_82 = vector.shape_cast %get3A_81 : vector<1x16xf32> to vector<16xf32>
        %mul3A_83 = vector.broadcast %squeeze3A : f32 to vector<16xf32>
        %mul3A_84 = arith.mulf %get3A_82, %mul3A_83 : vector<16xf32>
        %swap3A_85 = arith.index_cast %scan3A_59 : i32 to index
        %swap3A_86 = arith.constant 0 : index
        %swap3A_87 = tpu.vector_load %arg12[%swap3A_85, %swap3A_86] {strides = array<i32>} : memref<160x144xf32, #tpu.memory_space<vmem>>, vector<1x16xf32>,
        %swap3A_88 = vector.shape_cast %swap3A_87 : vector<1x16xf32> to vector<16xf32>
        %swap3A_89 = vector.shape_cast %mul3A_84 : vector<16xf32> to vector<1x16xf32>
        tpu.vector_store %arg12[%swap3A_85, %swap3A_86], %swap3A_89 {strides = array<i32>} : memref<160x144xf32, #tpu.memory_space<vmem>>, vector<1x16xf32>,
        %get3A_90 = arith.index_cast %scan3A_59 : i32 to index
        %get3A_91 = arith.constant 16 : index
        %get3A_92 = tpu.vector_load %arg12[%get3A_90, %get3A_91] {strides = array<i32>} : memref<160x144xf32, #tpu.memory_space<vmem>>, vector<1x16xf32>,
        %get3A_93 = vector.shape_cast %get3A_92 : vector<1x16xf32> to vector<16xf32>
        %mul3A_94 = vector.broadcast %squeeze3A : f32 to vector<16xf32>
        %mul3A_95 = arith.mulf %get3A_93, %mul3A_94 : vector<16xf32>
        %swap3A_96 = arith.index_cast %scan3A_59 : i32 to index
        %swap3A_97 = arith.constant 16 : index
        %swap3A_98 = tpu.vector_load %arg12[%swap3A_96, %swap3A_97] {strides = array<i32>} : memref<160x144xf32, #tpu.memory_space<vmem>>, vector<1x16xf32>,
        %swap3A_99 = vector.shape_cast %swap3A_98 : vector<1x16xf32> to vector<16xf32>
        %swap3A_100 = vector.shape_cast %mul3A_95 : vector<16xf32> to vector<1x16xf32>
        tpu.vector_store %arg12[%swap3A_96, %swap3A_97], %swap3A_100 {strides = array<i32>} : memref<160x144xf32, #tpu.memory_space<vmem>>, vector<1x16xf32>,
        %get3A_101 = arith.index_cast %scan3A_59 : i32 to index
        %get3A_102 = arith.constant 32 : index
        %get3A_103 = tpu.vector_load %arg12[%get3A_101, %get3A_102] {strides = array<i32>} : memref<160x144xf32, #tpu.memory_space<vmem>>, vector<1x16xf32>,
        %get3A_104 = vector.shape_cast %get3A_103 : vector<1x16xf32> to vector<16xf32>
        %mul3A_105 = vector.broadcast %squeeze3A : f32 to vector<16xf32>
        %mul3A_106 = arith.mulf %get3A_104, %mul3A_105 : vector<16xf32>
        %swap3A_107 = arith.index_cast %scan3A_59 : i32 to index
        %swap3A_108 = arith.constant 32 : index
        %swap3A_109 = tpu.vector_load %arg12[%swap3A_107, %swap3A_108] {strides = array<i32>} : memref<160x144xf32, #tpu.memory_space<vmem>>, vector<1x16xf32>,
        %swap3A_110 = vector.shape_cast %swap3A_109 : vector<1x16xf32> to vector<16xf32>
        %swap3A_111 = vector.shape_cast %mul3A_106 : vector<16xf32> to vector<1x16xf32>
        tpu.vector_store %arg12[%swap3A_107, %swap3A_108], %swap3A_111 {strides = array<i32>} : memref<160x144xf32, #tpu.memory_space<vmem>>, vector<1x16xf32>,
        %get3A_112 = arith.index_cast %scan3A_59 : i32 to index
        %get3A_113 = arith.constant 48 : index
        %get3A_114 = tpu.vector_load %arg12[%get3A_112, %get3A_113] {strides = array<i32>} : memref<160x144xf32, #tpu.memory_space<vmem>>, vector<1x16xf32>,
        %get3A_115 = vector.shape_cast %get3A_114 : vector<1x16xf32> to vector<16xf32>
        %mul3A_116 = vector.broadcast %squeeze3A : f32 to vector<16xf32>
        %mul3A_117 = arith.mulf %get3A_115, %mul3A_116 : vector<16xf32>
        %swap3A_118 = arith.index_cast %scan3A_59 : i32 to index
        %swap3A_119 = arith.constant 48 : index
        %swap3A_120 = tpu.vector_load %arg12[%swap3A_118, %swap3A_119] {strides = array<i32>} : memref<160x144xf32, #tpu.memory_space<vmem>>, vector<1x16xf32>,
        %swap3A_121 = vector.shape_cast %swap3A_120 : vector<1x16xf32> to vector<16xf32>
        %swap3A_122 = vector.shape_cast %mul3A_117 : vector<16xf32> to vector<1x16xf32>
        tpu.vector_store %arg12[%swap3A_118, %swap3A_119], %swap3A_122 {strides = array<i32>} : memref<160x144xf32, #tpu.memory_space<vmem>>, vector<1x16xf32>,
        %get3A_123 = arith.index_cast %scan3A_59 : i32 to index
        %get3A_124 = arith.constant 64 : index
        %get3A_125 = tpu.vector_load %arg12[%get3A_123, %get3A_124] {strides = array<i32>} : memref<160x144xf32, #tpu.memory_space<vmem>>, vector<1x16xf32>,
        %get3A_126 = vector.shape_cast %get3A_125 : vector<1x16xf32> to vector<16xf32>
        %mul3A_127 = vector.broadcast %squeeze3A_78 : f32 to vector<16xf32>
        %mul3A_128 = arith.mulf %get3A_126, %mul3A_127 : vector<16xf32>
        %swap3A_129 = arith.index_cast %scan3A_59 : i32 to index
        %swap3A_130 = arith.constant 64 : index
        %swap3A_131 = tpu.vector_load %arg12[%swap3A_129, %swap3A_130] {strides = array<i32>} : memref<160x144xf32, #tpu.memory_space<vmem>>, vector<1x16xf32>,
        %swap3A_132 = vector.shape_cast %swap3A_131 : vector<1x16xf32> to vector<16xf32>
        %swap3A_133 = vector.shape_cast %mul3A_128 : vector<16xf32> to vector<1x16xf32>
        tpu.vector_store %arg12[%swap3A_129, %swap3A_130], %swap3A_133 {strides = array<i32>} : memref<160x144xf32, #tpu.memory_space<vmem>>, vector<1x16xf32>,
        %get3A_134 = arith.index_cast %scan3A_59 : i32 to index
        %get3A_135 = arith.constant 80 : index
        %get3A_136 = tpu.vector_load %arg12[%get3A_134, %get3A_135] {strides = array<i32>} : memref<160x144xf32, #tpu.memory_space<vmem>>, vector<1x16xf32>,
        %get3A_137 = vector.shape_cast %get3A_136 : vector<1x16xf32> to vector<16xf32>
        %mul3A_138 = vector.broadcast %squeeze3A_78 : f32 to vector<16xf32>
        %mul3A_139 = arith.mulf %get3A_137, %mul3A_138 : vector<16xf32>
        %swap3A_140 = arith.index_cast %scan3A_59 : i32 to index
        %swap3A_141 = arith.constant 80 : index
        %swap3A_142 = tpu.vector_load %arg12[%swap3A_140, %swap3A_141] {strides = array<i32>} : memref<160x144xf32, #tpu.memory_space<vmem>>, vector<1x16xf32>,
        %swap3A_143 = vector.shape_cast %swap3A_142 : vector<1x16xf32> to vector<16xf32>
        %swap3A_144 = vector.shape_cast %mul3A_139 : vector<16xf32> to vector<1x16xf32>
        tpu.vector_store %arg12[%swap3A_140, %swap3A_141], %swap3A_144 {strides = array<i32>} : memref<160x144xf32, #tpu.memory_space<vmem>>, vector<1x16xf32>,
        %get3A_145 = arith.index_cast %scan3A_59 : i32 to index
        %get3A_146 = arith.constant 96 : index
        %get3A_147 = tpu.vector_load %arg12[%get3A_145, %get3A_146] {strides = array<i32>} : memref<160x144xf32, #tpu.memory_space<vmem>>, vector<1x16xf32>,
        %get3A_148 = vector.shape_cast %get3A_147 : vector<1x16xf32> to vector<16xf32>
        %mul3A_149 = vector.broadcast %squeeze3A_78 : f32 to vector<16xf32>
        %mul3A_150 = arith.mulf %get3A_148, %mul3A_149 : vector<16xf32>
        %swap3A_151 = arith.index_cast %scan3A_59 : i32 to index
        %swap3A_152 = arith.constant 96 : index
        %swap3A_153 = tpu.vector_load %arg12[%swap3A_151, %swap3A_152] {strides = array<i32>} : memref<160x144xf32, #tpu.memory_space<vmem>>, vector<1x16xf32>,
        %swap3A_154 = vector.shape_cast %swap3A_153 : vector<1x16xf32> to vector<16xf32>
        %swap3A_155 = vector.shape_cast %mul3A_150 : vector<16xf32> to vector<1x16xf32>
        tpu.vector_store %arg12[%swap3A_151, %swap3A_152], %swap3A_155 {strides = array<i32>} : memref<160x144xf32, #tpu.memory_space<vmem>>, vector<1x16xf32>,
        %get3A_156 = arith.index_cast %scan3A_59 : i32 to index
        %get3A_157 = arith.constant 112 : index
        %get3A_158 = tpu.vector_load %arg12[%get3A_156, %get3A_157] {strides = array<i32>} : memref<160x144xf32, #tpu.memory_space<vmem>>, vector<1x16xf32>,
        %get3A_159 = vector.shape_cast %get3A_158 : vector<1x16xf32> to vector<16xf32>
        %mul3A_160 = vector.broadcast %squeeze3A_78 : f32 to vector<16xf32>
        %mul3A_161 = arith.mulf %get3A_159, %mul3A_160 : vector<16xf32>
        %swap3A_162 = arith.index_cast %scan3A_59 : i32 to index
        %swap3A_163 = arith.constant 112 : index
        %swap3A_164 = tpu.vector_load %arg12[%swap3A_162, %swap3A_163] {strides = array<i32>} : memref<160x144xf32, #tpu.memory_space<vmem>>, vector<1x16xf32>,
        %swap3A_165 = vector.shape_cast %swap3A_164 : vector<1x16xf32> to vector<16xf32>
        %swap3A_166 = vector.shape_cast %mul3A_161 : vector<16xf32> to vector<1x16xf32>
        tpu.vector_store %arg12[%swap3A_162, %swap3A_163], %swap3A_166 {strides = array<i32>} : memref<160x144xf32, #tpu.memory_space<vmem>>, vector<1x16xf32>,
      }
      %scan3A_58 = arith.constant 160 : i32
      "tpu.region"() ({
        %run_scoped3A = tpu.sem_alloc : memref<!tpu.dma_semaphore, #tpu.memory_space<semaphore_mem>>
        %dma_start3A = arith.constant 0 : i32
        %dma_start3A_59 = arith.constant 0 : i32
        %dma_start3A_60 = tpu.memref_slice %arg14[%dma_start3A, %dma_start3A_59] : memref<10000x144xf32, #tpu.memory_space<vmem_shared>> -> memref<10000x144xf32, #tpu.memory_space<vmem_shared>>
        tpu.enqueue_indirect_dma source(%arg12 : memref<160x144xf32, #tpu.memory_space<vmem>>) target(%dma_start3A_60 : memref<10000x144xf32, #tpu.memory_space<vmem_shared>>) offsets(%arg11 : memref<160xi32, #tpu.memory_space<vmem>>) semaphore(%run_scoped3A : memref<!tpu.dma_semaphore, #tpu.memory_space<semaphore_mem>>) {add = true}
        %dma_wait3A = arith.constant 0 : i32
        %dma_wait3A_61 = arith.constant 0 : i32
        %dma_wait3A_62 = tpu.memref_slice %arg14[%dma_wait3A, %dma_wait3A_61] : memref<10000x144xf32, #tpu.memory_space<vmem_shared>> -> memref<10000x144xf32, #tpu.memory_space<vmem_shared>>
        tpu.wait_indirect_dma semaphore(%run_scoped3A : memref<!tpu.dma_semaphore, #tpu.memory_space<semaphore_mem>>) src(%arg12 : memref<160x144xf32, #tpu.memory_space<vmem>>) dst(%dma_wait3A_62 : memref<10000x144xf32, #tpu.memory_space<vmem_shared>>)
        tpu.yield
      }) : () -> ()
    }
    %scan3A_11 = arith.constant 125 : i32
    %barrier3A_12 = arith.constant 0 : index
    tpu.barrier barrier_id(%barrier3A_12)
    %mul3A_13 = arith.constant 10000 : i32
    %mul3A_14 = arith.muli %arg0, %mul3A_13 : i32
    %add3A = arith.addi %mul3A_14, %multiple_of3A : i32
    %multiple_of3A_15 = tpu.assume_multiple %add3A, 8 : i32
    %lt3A_16 = arith.constant 15 : i32
    %lt3A_17 = arith.cmpi slt, %arg1, %lt3A_16 : i32
    %convert_element_type3A_18 = arith.extui %lt3A_17 : i1 to i32
    %cond3A_19 = arith.constant 0 : i32
    %cond3A_20 = arith.cmpi ne, %convert_element_type3A_18, %cond3A_19 : i32
    scf.if %cond3A_20 {
      "tpu.region"() ({
        %run_scoped3A = tpu.sem_alloc : memref<!tpu.dma_semaphore, #tpu.memory_space<semaphore_mem>>
        %dma_start3A = arith.constant 0 : i32
        %dma_start3A_26 = tpu.memref_slice %arg9[%multiple_of3A_15, %dma_start3A] : memref<20000x144xf32, #tpu.memory_space<hbm>> -> memref<640x144xf32, #tpu.memory_space<hbm>>
        %dma_start3A_27 = arith.constant 0 : i32
        %dma_start3A_28 = tpu.memref_slice %arg14[%multiple_of3A, %dma_start3A_27] : memref<10000x144xf32, #tpu.memory_space<vmem_shared>> -> memref<640x144xf32, #tpu.memory_space<vmem_shared>>
        tpu.enqueue_dma source(%dma_start3A_28 : memref<640x144xf32, #tpu.memory_space<vmem_shared>>) target(%dma_start3A_26 : memref<640x144xf32, #tpu.memory_space<hbm>>) target_semaphore(%run_scoped3A : memref<!tpu.dma_semaphore, #tpu.memory_space<semaphore_mem>>)
        %dma_wait3A = arith.constant 0 : i32
        %dma_wait3A_29 = tpu.memref_slice %arg9[%multiple_of3A_15, %dma_wait3A] : memref<20000x144xf32, #tpu.memory_space<hbm>> -> memref<640x144xf32, #tpu.memory_space<hbm>>
        %dma_wait3A_30 = arith.constant 0 : i32
        %dma_wait3A_31 = tpu.memref_slice %arg14[%multiple_of3A, %dma_wait3A_30] : memref<10000x144xf32, #tpu.memory_space<vmem_shared>> -> memref<640x144xf32, #tpu.memory_space<vmem_shared>>
        tpu.wait_dma2 semaphore(%run_scoped3A : memref<!tpu.dma_semaphore, #tpu.memory_space<semaphore_mem>>) src(%dma_wait3A_31 : memref<640x144xf32, #tpu.memory_space<vmem_shared>>) dst(%dma_wait3A_29 : memref<640x144xf32, #tpu.memory_space<hbm>>)
        tpu.yield
      }) : () -> ()
    } else {
    }
    %eq3A_21 = arith.constant 15 : i32
    %eq3A_22 = arith.cmpi eq, %arg1, %eq3A_21 : i32
    %convert_element_type3A_23 = arith.extui %eq3A_22 : i1 to i32
    %cond3A_24 = arith.constant 0 : i32
    %cond3A_25 = arith.cmpi ne, %convert_element_type3A_23, %cond3A_24 : i32
    scf.if %cond3A_25 {
      %mul3A_26 = arith.constant 10000 : i32
      %mul3A_27 = arith.muli %arg0, %mul3A_26 : i32
      %add3A_28 = arith.constant 9600 : i32
      %add3A_29 = arith.addi %mul3A_27, %add3A_28 : i32
      %multiple_of3A_30 = tpu.assume_multiple %add3A_29, 8 : i32
      "tpu.region"() ({
        %run_scoped3A = tpu.sem_alloc : memref<!tpu.dma_semaphore, #tpu.memory_space<semaphore_mem>>
        %dma_start3A = arith.constant 0 : i32
        %dma_start3A_31 = tpu.memref_slice %arg9[%multiple_of3A_30, %dma_start3A] : memref<20000x144xf32, #tpu.memory_space<hbm>> -> memref<400x144xf32, #tpu.memory_space<hbm>>
        %dma_start3A_32 = arith.constant 9600 : i32
        %dma_start3A_33 = arith.constant 0 : i32
        %dma_start3A_34 = tpu.memref_slice %arg14[%dma_start3A_32, %dma_start3A_33] : memref<10000x144xf32, #tpu.memory_space<vmem_shared>> -> memref<400x144xf32, #tpu.memory_space<vmem_shared>>
        tpu.enqueue_dma source(%dma_start3A_34 : memref<400x144xf32, #tpu.memory_space<vmem_shared>>) target(%dma_start3A_31 : memref<400x144xf32, #tpu.memory_space<hbm>>) target_semaphore(%run_scoped3A : memref<!tpu.dma_semaphore, #tpu.memory_space<semaphore_mem>>)
        %dma_wait3A = arith.constant 0 : i32
        %dma_wait3A_35 = tpu.memref_slice %arg9[%multiple_of3A_30, %dma_wait3A] : memref<20000x144xf32, #tpu.memory_space<hbm>> -> memref<400x144xf32, #tpu.memory_space<hbm>>
        %dma_wait3A_36 = arith.constant 9600 : i32
        %dma_wait3A_37 = arith.constant 0 : i32
        %dma_wait3A_38 = tpu.memref_slice %arg14[%dma_wait3A_36, %dma_wait3A_37] : memref<10000x144xf32, #tpu.memory_space<vmem_shared>> -> memref<400x144xf32, #tpu.memory_space<vmem_shared>>
        tpu.wait_dma2 semaphore(%run_scoped3A : memref<!tpu.dma_semaphore, #tpu.memory_space<semaphore_mem>>) src(%dma_wait3A_38 : memref<400x144xf32, #tpu.memory_space<vmem_shared>>) dst(%dma_wait3A_35 : memref<400x144xf32, #tpu.memory_space<hbm>>)
        tpu.yield
      }) : () -> ()
    } else {
    }
    return
  }
}

#map = affine_map<(d0, d1) -> (0, 0)>
#map1 = affine_map<(d0, d1) -> (0)>
module attributes {stable_mosaic.version = 14 : i64} {
  func.func @_edge_body3(%arg0: i32, %arg1: i32, %arg2: memref<10000x80xf32, #tpu.memory_space<hbm>>, %arg3: memref<10000x16xf32, #tpu.memory_space<hbm>>, %arg4: memref<320000xi32, #tpu.memory_space<hbm>>, %arg5: memref<320000xi32, #tpu.memory_space<hbm>>, %arg6: memref<10000x80xf32, #tpu.memory_space<hbm>>, %arg7: memref<20000x80xf32, #tpu.memory_space<hbm>>, %arg8: memref<400xi32, #tpu.memory_space<vmem>>, %arg9: memref<400xi32, #tpu.memory_space<vmem>>, %arg10: memref<400x80xf32, #tpu.memory_space<vmem>>, %arg11: memref<400x16xf32, #tpu.memory_space<vmem>>, %arg12: memref<10000x80xf32, #tpu.memory_space<vmem_shared>>, %arg13: memref<!tpu.dma_semaphore, #tpu.memory_space<semaphore_mem>>, %arg14: memref<!tpu.dma_semaphore, #tpu.memory_space<semaphore_mem>>) attributes {dimension_semantics = [#tpu.dimension_semantics<core_parallel>, #tpu.dimension_semantics<subcore_parallel>], iteration_bounds = array<i64: 2, 16>, scalar_prefetch = 0 : i64, scratch_operands = 7 : i64, tpu.core_type = #tpu.core_type<sc_vector_subcore>, window_params = [{transform_indices = #map}, {transform_indices = #map}, {transform_indices = #map1}, {transform_indices = #map1}, {transform_indices = #map}, {transform_indices = #map}]} {
    %mul3A = arith.constant 640 : i32
    %mul3A_0 = arith.muli %arg1, %mul3A : i32
    %multiple_of3A = tpu.assume_multiple %mul3A_0, 8 : i32
    %lt3A = arith.constant 15 : i32
    %lt3A_1 = arith.cmpi slt, %arg1, %lt3A : i32
    %convert_element_type3A = arith.extui %lt3A_1 : i1 to i32
    %cond3A = arith.constant 0 : i32
    %cond3A_2 = arith.cmpi ne, %convert_element_type3A, %cond3A : i32
    scf.if %cond3A_2 {
      "tpu.region"() ({
        %run_scoped3A = tpu.sem_alloc : memref<!tpu.dma_semaphore, #tpu.memory_space<semaphore_mem>>
        %dma_start3A = arith.constant 0 : i32
        %dma_start3A_29 = tpu.memref_slice %arg12[%multiple_of3A, %dma_start3A] : memref<10000x80xf32, #tpu.memory_space<vmem_shared>> -> memref<640x80xf32, #tpu.memory_space<vmem_shared>>
        %dma_start3A_30 = arith.constant 0 : i32
        %dma_start3A_31 = tpu.memref_slice %arg6[%multiple_of3A, %dma_start3A_30] : memref<10000x80xf32, #tpu.memory_space<hbm>> -> memref<640x80xf32, #tpu.memory_space<hbm>>
        tpu.enqueue_dma source(%dma_start3A_31 : memref<640x80xf32, #tpu.memory_space<hbm>>) target(%dma_start3A_29 : memref<640x80xf32, #tpu.memory_space<vmem_shared>>) target_semaphore(%run_scoped3A : memref<!tpu.dma_semaphore, #tpu.memory_space<semaphore_mem>>)
        %dma_wait3A = arith.constant 0 : i32
        %dma_wait3A_32 = tpu.memref_slice %arg12[%multiple_of3A, %dma_wait3A] : memref<10000x80xf32, #tpu.memory_space<vmem_shared>> -> memref<640x80xf32, #tpu.memory_space<vmem_shared>>
        %dma_wait3A_33 = arith.constant 0 : i32
        %dma_wait3A_34 = tpu.memref_slice %arg6[%multiple_of3A, %dma_wait3A_33] : memref<10000x80xf32, #tpu.memory_space<hbm>> -> memref<640x80xf32, #tpu.memory_space<hbm>>
        tpu.wait_dma2 semaphore(%run_scoped3A : memref<!tpu.dma_semaphore, #tpu.memory_space<semaphore_mem>>) src(%dma_wait3A_34 : memref<640x80xf32, #tpu.memory_space<hbm>>) dst(%dma_wait3A_32 : memref<640x80xf32, #tpu.memory_space<vmem_shared>>)
        tpu.yield
      }) : () -> ()
    } else {
    }
    %eq3A = arith.constant 15 : i32
    %eq3A_3 = arith.cmpi eq, %arg1, %eq3A : i32
    %convert_element_type3A_4 = arith.extui %eq3A_3 : i1 to i32
    %cond3A_5 = arith.constant 0 : i32
    %cond3A_6 = arith.cmpi ne, %convert_element_type3A_4, %cond3A_5 : i32
    scf.if %cond3A_6 {
      "tpu.region"() ({
        %run_scoped3A = tpu.sem_alloc : memref<!tpu.dma_semaphore, #tpu.memory_space<semaphore_mem>>
        %dma_start3A = arith.constant 9600 : i32
        %dma_start3A_29 = arith.constant 0 : i32
        %dma_start3A_30 = tpu.memref_slice %arg12[%dma_start3A, %dma_start3A_29] : memref<10000x80xf32, #tpu.memory_space<vmem_shared>> -> memref<400x80xf32, #tpu.memory_space<vmem_shared>>
        %dma_start3A_31 = arith.constant 9600 : i32
        %dma_start3A_32 = arith.constant 0 : i32
        %dma_start3A_33 = tpu.memref_slice %arg6[%dma_start3A_31, %dma_start3A_32] : memref<10000x80xf32, #tpu.memory_space<hbm>> -> memref<400x80xf32, #tpu.memory_space<hbm>>
        tpu.enqueue_dma source(%dma_start3A_33 : memref<400x80xf32, #tpu.memory_space<hbm>>) target(%dma_start3A_30 : memref<400x80xf32, #tpu.memory_space<vmem_shared>>) target_semaphore(%run_scoped3A : memref<!tpu.dma_semaphore, #tpu.memory_space<semaphore_mem>>)
        %dma_wait3A = arith.constant 9600 : i32
        %dma_wait3A_34 = arith.constant 0 : i32
        %dma_wait3A_35 = tpu.memref_slice %arg12[%dma_wait3A, %dma_wait3A_34] : memref<10000x80xf32, #tpu.memory_space<vmem_shared>> -> memref<400x80xf32, #tpu.memory_space<vmem_shared>>
        %dma_wait3A_36 = arith.constant 9600 : i32
        %dma_wait3A_37 = arith.constant 0 : i32
        %dma_wait3A_38 = tpu.memref_slice %arg6[%dma_wait3A_36, %dma_wait3A_37] : memref<10000x80xf32, #tpu.memory_space<hbm>> -> memref<400x80xf32, #tpu.memory_space<hbm>>
        tpu.wait_dma2 semaphore(%run_scoped3A : memref<!tpu.dma_semaphore, #tpu.memory_space<semaphore_mem>>) src(%dma_wait3A_38 : memref<400x80xf32, #tpu.memory_space<hbm>>) dst(%dma_wait3A_35 : memref<400x80xf32, #tpu.memory_space<vmem_shared>>)
        tpu.yield
      }) : () -> ()
    } else {
    }
    %barrier3A = arith.constant 0 : index
    tpu.barrier barrier_id(%barrier3A)
    %mul3A_7 = arith.constant 2 : i32
    %mul3A_8 = arith.muli %arg1, %mul3A_7 : i32
    %add3A = arith.addi %mul3A_8, %arg0 : i32
    %scan3A = arith.constant 0 : i32
    %scan3A_9 = arith.constant 0 : i32
    %scan3A_10 = arith.constant 25 : i32
    %scan3A_11 = arith.addi %scan3A_9, %scan3A_10 : i32
    %scan3A_12 = arith.constant 1 : i32
    scf.for %scan3A_29 = %scan3A_9 to %scan3A_11 step %scan3A_12  : i32 {
      %mul3A_30 = arith.constant 10000 : i32
      %mul3A_31 = arith.muli %add3A, %mul3A_30 : i32
      %mul3A_32 = arith.constant 400 : i32
      %mul3A_33 = arith.muli %scan3A_29, %mul3A_32 : i32
      %add3A_34 = arith.addi %mul3A_31, %mul3A_33 : i32
      %multiple_of3A_35 = tpu.assume_multiple %add3A_34, 8 : i32
      "tpu.region"() ({
        %run_scoped3A = tpu.sem_alloc : memref<!tpu.dma_semaphore, #tpu.memory_space<semaphore_mem>>
        %dma_start3A_52 = tpu.memref_slice %arg4[%multiple_of3A_35] : memref<320000xi32, #tpu.memory_space<hbm>> -> memref<400xi32, #tpu.memory_space<hbm>>
        %dma_start3A_53 = tpu.memref_slice %arg4[%multiple_of3A_35] : memref<320000xi32, #tpu.memory_space<hbm>> -> memref<400xi32, #tpu.memory_space<hbm>>
        tpu.enqueue_dma source(%dma_start3A_53 : memref<400xi32, #tpu.memory_space<hbm>>) target(%arg8 : memref<400xi32, #tpu.memory_space<vmem>>) target_semaphore(%run_scoped3A : memref<!tpu.dma_semaphore, #tpu.memory_space<semaphore_mem>>)
        %dma_wait3A_54 = tpu.memref_slice %arg4[%multiple_of3A_35] : memref<320000xi32, #tpu.memory_space<hbm>> -> memref<400xi32, #tpu.memory_space<hbm>>
        %dma_wait3A_55 = tpu.memref_slice %arg4[%multiple_of3A_35] : memref<320000xi32, #tpu.memory_space<hbm>> -> memref<400xi32, #tpu.memory_space<hbm>>
        tpu.wait_dma2 semaphore(%run_scoped3A : memref<!tpu.dma_semaphore, #tpu.memory_space<semaphore_mem>>) src(%dma_wait3A_55 : memref<400xi32, #tpu.memory_space<hbm>>) dst(%arg8 : memref<400xi32, #tpu.memory_space<vmem>>)
        tpu.yield
      }) : () -> ()
      "tpu.region"() ({
        %run_scoped3A = tpu.sem_alloc : memref<!tpu.dma_semaphore, #tpu.memory_space<semaphore_mem>>
        %dma_start3A_52 = tpu.memref_slice %arg5[%multiple_of3A_35] : memref<320000xi32, #tpu.memory_space<hbm>> -> memref<400xi32, #tpu.memory_space<hbm>>
        %dma_start3A_53 = tpu.memref_slice %arg5[%multiple_of3A_35] : memref<320000xi32, #tpu.memory_space<hbm>> -> memref<400xi32, #tpu.memory_space<hbm>>
        tpu.enqueue_dma source(%dma_start3A_53 : memref<400xi32, #tpu.memory_space<hbm>>) target(%arg9 : memref<400xi32, #tpu.memory_space<vmem>>) target_semaphore(%run_scoped3A : memref<!tpu.dma_semaphore, #tpu.memory_space<semaphore_mem>>)
        %dma_wait3A_54 = tpu.memref_slice %arg5[%multiple_of3A_35] : memref<320000xi32, #tpu.memory_space<hbm>> -> memref<400xi32, #tpu.memory_space<hbm>>
        %dma_wait3A_55 = tpu.memref_slice %arg5[%multiple_of3A_35] : memref<320000xi32, #tpu.memory_space<hbm>> -> memref<400xi32, #tpu.memory_space<hbm>>
        tpu.wait_dma2 semaphore(%run_scoped3A : memref<!tpu.dma_semaphore, #tpu.memory_space<semaphore_mem>>) src(%dma_wait3A_55 : memref<400xi32, #tpu.memory_space<hbm>>) dst(%arg9 : memref<400xi32, #tpu.memory_space<vmem>>)
        tpu.yield
      }) : () -> ()
      %dma_start3A = arith.constant 0 : i32
      %dma_start3A_36 = arith.constant 0 : i32
      %dma_start3A_37 = tpu.memref_slice %arg2[%dma_start3A, %dma_start3A_36] : memref<10000x80xf32, #tpu.memory_space<hbm>> -> memref<10000x80xf32, #tpu.memory_space<hbm>>
      tpu.enqueue_indirect_dma source(%dma_start3A_37 : memref<10000x80xf32, #tpu.memory_space<hbm>>) target(%arg10 : memref<400x80xf32, #tpu.memory_space<vmem>>) offsets(%arg8 : memref<400xi32, #tpu.memory_space<vmem>>) semaphore(%arg13 : memref<!tpu.dma_semaphore, #tpu.memory_space<semaphore_mem>>)
      %dma_wait3A = arith.constant 0 : i32
      %dma_wait3A_38 = arith.constant 0 : i32
      %dma_wait3A_39 = tpu.memref_slice %arg2[%dma_wait3A, %dma_wait3A_38] : memref<10000x80xf32, #tpu.memory_space<hbm>> -> memref<10000x80xf32, #tpu.memory_space<hbm>>
      tpu.wait_indirect_dma semaphore(%arg13 : memref<!tpu.dma_semaphore, #tpu.memory_space<semaphore_mem>>) src(%dma_wait3A_39 : memref<10000x80xf32, #tpu.memory_space<hbm>>) dst(%arg10 : memref<400x80xf32, #tpu.memory_space<vmem>>)
      %dma_start3A_40 = arith.constant 0 : i32
      %dma_start3A_41 = arith.constant 0 : i32
      %dma_start3A_42 = tpu.memref_slice %arg3[%dma_start3A_40, %dma_start3A_41] : memref<10000x16xf32, #tpu.memory_space<hbm>> -> memref<10000x16xf32, #tpu.memory_space<hbm>>
      tpu.enqueue_indirect_dma source(%dma_start3A_42 : memref<10000x16xf32, #tpu.memory_space<hbm>>) target(%arg11 : memref<400x16xf32, #tpu.memory_space<vmem>>) offsets(%arg9 : memref<400xi32, #tpu.memory_space<vmem>>) semaphore(%arg14 : memref<!tpu.dma_semaphore, #tpu.memory_space<semaphore_mem>>)
      %dma_wait3A_43 = arith.constant 0 : i32
      %dma_wait3A_44 = arith.constant 0 : i32
      %dma_wait3A_45 = tpu.memref_slice %arg3[%dma_wait3A_43, %dma_wait3A_44] : memref<10000x16xf32, #tpu.memory_space<hbm>> -> memref<10000x16xf32, #tpu.memory_space<hbm>>
      tpu.wait_indirect_dma semaphore(%arg14 : memref<!tpu.dma_semaphore, #tpu.memory_space<semaphore_mem>>) src(%dma_wait3A_45 : memref<10000x16xf32, #tpu.memory_space<hbm>>) dst(%arg11 : memref<400x16xf32, #tpu.memory_space<vmem>>)
      %scan3A_46 = arith.constant 0 : i32
      %scan3A_47 = arith.constant 0 : i32
      %scan3A_48 = arith.constant 400 : i32
      %scan3A_49 = arith.addi %scan3A_47, %scan3A_48 : i32
      %scan3A_50 = arith.constant 1 : i32
      scf.for %scan3A_52 = %scan3A_47 to %scan3A_49 step %scan3A_50  : i32 {
        %get3A = arith.index_cast %scan3A_52 : i32 to index
        %get3A_53 = arith.constant 64 : index
        %get3A_54 = tpu.vector_load %arg10[%get3A, %get3A_53] {strides = array<i32>} : memref<400x80xf32, #tpu.memory_space<vmem>>, vector<1x16xf32>,
        %get3A_55 = vector.shape_cast %get3A_54 : vector<1x16xf32> to vector<16xf32>
        %get3A_56 = arith.index_cast %scan3A_52 : i32 to index
        %get3A_57 = arith.constant 0 : index
        %get3A_58 = tpu.vector_load %arg11[%get3A_56, %get3A_57] {strides = array<i32>} : memref<400x16xf32, #tpu.memory_space<vmem>>, vector<1x16xf32>,
        %get3A_59 = vector.shape_cast %get3A_58 : vector<1x16xf32> to vector<16xf32>
        %add3A_60 = arith.addf %get3A_55, %get3A_59 : vector<16xf32>
        %ge3A = arith.constant 0.000000e+00 : f32
        %ge3A_61 = vector.broadcast %ge3A : f32 to vector<16xf32>
        %ge3A_62 = arith.cmpf oge, %add3A_60, %ge3A_61 : vector<16xf32>
        %mul3A_63 = arith.constant 2.000000e-01 : f32
        %mul3A_64 = vector.broadcast %mul3A_63 : f32 to vector<16xf32>
        %mul3A_65 = arith.mulf %mul3A_64, %add3A_60 : vector<16xf32>
        %select_n3A = arith.select %ge3A_62, %add3A_60, %mul3A_65 : vector<16xi1>, vector<16xf32>
        %exp3A = math.exp %select_n3A : vector<16xf32>
        %swap3A = arith.index_cast %scan3A_52 : i32 to index
        %swap3A_66 = arith.constant 64 : index
        %swap3A_67 = tpu.vector_load %arg10[%swap3A, %swap3A_66] {strides = array<i32>} : memref<400x80xf32, #tpu.memory_space<vmem>>, vector<1x16xf32>,
        %swap3A_68 = vector.shape_cast %swap3A_67 : vector<1x16xf32> to vector<16xf32>
        %swap3A_69 = vector.shape_cast %exp3A : vector<16xf32> to vector<1x16xf32>
        tpu.vector_store %arg10[%swap3A, %swap3A_66], %swap3A_69 {strides = array<i32>} : memref<400x80xf32, #tpu.memory_space<vmem>>, vector<1x16xf32>,
        %slice3A = vector.extract_strided_slice %exp3A {offsets = [0], sizes = [1], strides = [1]} : vector<16xf32> to vector<1xf32>
        %squeeze3A = vector.extract %slice3A[0] : f32 from vector<1xf32>
        %get3A_70 = arith.index_cast %scan3A_52 : i32 to index
        %get3A_71 = arith.constant 0 : index
        %get3A_72 = tpu.vector_load %arg10[%get3A_70, %get3A_71] {strides = array<i32>} : memref<400x80xf32, #tpu.memory_space<vmem>>, vector<1x16xf32>,
        %get3A_73 = vector.shape_cast %get3A_72 : vector<1x16xf32> to vector<16xf32>
        %mul3A_74 = vector.broadcast %squeeze3A : f32 to vector<16xf32>
        %mul3A_75 = arith.mulf %get3A_73, %mul3A_74 : vector<16xf32>
        %swap3A_76 = arith.index_cast %scan3A_52 : i32 to index
        %swap3A_77 = arith.constant 0 : index
        %swap3A_78 = tpu.vector_load %arg10[%swap3A_76, %swap3A_77] {strides = array<i32>} : memref<400x80xf32, #tpu.memory_space<vmem>>, vector<1x16xf32>,
        %swap3A_79 = vector.shape_cast %swap3A_78 : vector<1x16xf32> to vector<16xf32>
        %swap3A_80 = vector.shape_cast %mul3A_75 : vector<16xf32> to vector<1x16xf32>
        tpu.vector_store %arg10[%swap3A_76, %swap3A_77], %swap3A_80 {strides = array<i32>} : memref<400x80xf32, #tpu.memory_space<vmem>>, vector<1x16xf32>,
        %get3A_81 = arith.index_cast %scan3A_52 : i32 to index
        %get3A_82 = arith.constant 16 : index
        %get3A_83 = tpu.vector_load %arg10[%get3A_81, %get3A_82] {strides = array<i32>} : memref<400x80xf32, #tpu.memory_space<vmem>>, vector<1x16xf32>,
        %get3A_84 = vector.shape_cast %get3A_83 : vector<1x16xf32> to vector<16xf32>
        %mul3A_85 = vector.broadcast %squeeze3A : f32 to vector<16xf32>
        %mul3A_86 = arith.mulf %get3A_84, %mul3A_85 : vector<16xf32>
        %swap3A_87 = arith.index_cast %scan3A_52 : i32 to index
        %swap3A_88 = arith.constant 16 : index
        %swap3A_89 = tpu.vector_load %arg10[%swap3A_87, %swap3A_88] {strides = array<i32>} : memref<400x80xf32, #tpu.memory_space<vmem>>, vector<1x16xf32>,
        %swap3A_90 = vector.shape_cast %swap3A_89 : vector<1x16xf32> to vector<16xf32>
        %swap3A_91 = vector.shape_cast %mul3A_86 : vector<16xf32> to vector<1x16xf32>
        tpu.vector_store %arg10[%swap3A_87, %swap3A_88], %swap3A_91 {strides = array<i32>} : memref<400x80xf32, #tpu.memory_space<vmem>>, vector<1x16xf32>,
        %get3A_92 = arith.index_cast %scan3A_52 : i32 to index
        %get3A_93 = arith.constant 32 : index
        %get3A_94 = tpu.vector_load %arg10[%get3A_92, %get3A_93] {strides = array<i32>} : memref<400x80xf32, #tpu.memory_space<vmem>>, vector<1x16xf32>,
        %get3A_95 = vector.shape_cast %get3A_94 : vector<1x16xf32> to vector<16xf32>
        %mul3A_96 = vector.broadcast %squeeze3A : f32 to vector<16xf32>
        %mul3A_97 = arith.mulf %get3A_95, %mul3A_96 : vector<16xf32>
        %swap3A_98 = arith.index_cast %scan3A_52 : i32 to index
        %swap3A_99 = arith.constant 32 : index
        %swap3A_100 = tpu.vector_load %arg10[%swap3A_98, %swap3A_99] {strides = array<i32>} : memref<400x80xf32, #tpu.memory_space<vmem>>, vector<1x16xf32>,
        %swap3A_101 = vector.shape_cast %swap3A_100 : vector<1x16xf32> to vector<16xf32>
        %swap3A_102 = vector.shape_cast %mul3A_97 : vector<16xf32> to vector<1x16xf32>
        tpu.vector_store %arg10[%swap3A_98, %swap3A_99], %swap3A_102 {strides = array<i32>} : memref<400x80xf32, #tpu.memory_space<vmem>>, vector<1x16xf32>,
        %get3A_103 = arith.index_cast %scan3A_52 : i32 to index
        %get3A_104 = arith.constant 48 : index
        %get3A_105 = tpu.vector_load %arg10[%get3A_103, %get3A_104] {strides = array<i32>} : memref<400x80xf32, #tpu.memory_space<vmem>>, vector<1x16xf32>,
        %get3A_106 = vector.shape_cast %get3A_105 : vector<1x16xf32> to vector<16xf32>
        %mul3A_107 = vector.broadcast %squeeze3A : f32 to vector<16xf32>
        %mul3A_108 = arith.mulf %get3A_106, %mul3A_107 : vector<16xf32>
        %swap3A_109 = arith.index_cast %scan3A_52 : i32 to index
        %swap3A_110 = arith.constant 48 : index
        %swap3A_111 = tpu.vector_load %arg10[%swap3A_109, %swap3A_110] {strides = array<i32>} : memref<400x80xf32, #tpu.memory_space<vmem>>, vector<1x16xf32>,
        %swap3A_112 = vector.shape_cast %swap3A_111 : vector<1x16xf32> to vector<16xf32>
        %swap3A_113 = vector.shape_cast %mul3A_108 : vector<16xf32> to vector<1x16xf32>
        tpu.vector_store %arg10[%swap3A_109, %swap3A_110], %swap3A_113 {strides = array<i32>} : memref<400x80xf32, #tpu.memory_space<vmem>>, vector<1x16xf32>,
      }
      %scan3A_51 = arith.constant 400 : i32
      "tpu.region"() ({
        %run_scoped3A = tpu.sem_alloc : memref<!tpu.dma_semaphore, #tpu.memory_space<semaphore_mem>>
        %dma_start3A_52 = arith.constant 0 : i32
        %dma_start3A_53 = arith.constant 0 : i32
        %dma_start3A_54 = tpu.memref_slice %arg12[%dma_start3A_52, %dma_start3A_53] : memref<10000x80xf32, #tpu.memory_space<vmem_shared>> -> memref<10000x80xf32, #tpu.memory_space<vmem_shared>>
        tpu.enqueue_indirect_dma source(%arg10 : memref<400x80xf32, #tpu.memory_space<vmem>>) target(%dma_start3A_54 : memref<10000x80xf32, #tpu.memory_space<vmem_shared>>) offsets(%arg9 : memref<400xi32, #tpu.memory_space<vmem>>) semaphore(%run_scoped3A : memref<!tpu.dma_semaphore, #tpu.memory_space<semaphore_mem>>) {add = true}
        %dma_wait3A_55 = arith.constant 0 : i32
        %dma_wait3A_56 = arith.constant 0 : i32
        %dma_wait3A_57 = tpu.memref_slice %arg12[%dma_wait3A_55, %dma_wait3A_56] : memref<10000x80xf32, #tpu.memory_space<vmem_shared>> -> memref<10000x80xf32, #tpu.memory_space<vmem_shared>>
        tpu.wait_indirect_dma semaphore(%run_scoped3A : memref<!tpu.dma_semaphore, #tpu.memory_space<semaphore_mem>>) src(%arg10 : memref<400x80xf32, #tpu.memory_space<vmem>>) dst(%dma_wait3A_57 : memref<10000x80xf32, #tpu.memory_space<vmem_shared>>)
        tpu.yield
      }) : () -> ()
    }
    %scan3A_13 = arith.constant 25 : i32
    %barrier3A_14 = arith.constant 0 : index
    tpu.barrier barrier_id(%barrier3A_14)
    %mul3A_15 = arith.constant 10000 : i32
    %mul3A_16 = arith.muli %arg0, %mul3A_15 : i32
    %add3A_17 = arith.addi %mul3A_16, %multiple_of3A : i32
    %multiple_of3A_18 = tpu.assume_multiple %add3A_17, 8 : i32
    %lt3A_19 = arith.constant 15 : i32
    %lt3A_20 = arith.cmpi slt, %arg1, %lt3A_19 : i32
    %convert_element_type3A_21 = arith.extui %lt3A_20 : i1 to i32
    %cond3A_22 = arith.constant 0 : i32
    %cond3A_23 = arith.cmpi ne, %convert_element_type3A_21, %cond3A_22 : i32
    scf.if %cond3A_23 {
      "tpu.region"() ({
        %run_scoped3A = tpu.sem_alloc : memref<!tpu.dma_semaphore, #tpu.memory_space<semaphore_mem>>
        %dma_start3A = arith.constant 0 : i32
        %dma_start3A_29 = tpu.memref_slice %arg7[%multiple_of3A_18, %dma_start3A] : memref<20000x80xf32, #tpu.memory_space<hbm>> -> memref<640x80xf32, #tpu.memory_space<hbm>>
        %dma_start3A_30 = arith.constant 0 : i32
        %dma_start3A_31 = tpu.memref_slice %arg12[%multiple_of3A, %dma_start3A_30] : memref<10000x80xf32, #tpu.memory_space<vmem_shared>> -> memref<640x80xf32, #tpu.memory_space<vmem_shared>>
        tpu.enqueue_dma source(%dma_start3A_31 : memref<640x80xf32, #tpu.memory_space<vmem_shared>>) target(%dma_start3A_29 : memref<640x80xf32, #tpu.memory_space<hbm>>) target_semaphore(%run_scoped3A : memref<!tpu.dma_semaphore, #tpu.memory_space<semaphore_mem>>)
        %dma_wait3A = arith.constant 0 : i32
        %dma_wait3A_32 = tpu.memref_slice %arg7[%multiple_of3A_18, %dma_wait3A] : memref<20000x80xf32, #tpu.memory_space<hbm>> -> memref<640x80xf32, #tpu.memory_space<hbm>>
        %dma_wait3A_33 = arith.constant 0 : i32
        %dma_wait3A_34 = tpu.memref_slice %arg12[%multiple_of3A, %dma_wait3A_33] : memref<10000x80xf32, #tpu.memory_space<vmem_shared>> -> memref<640x80xf32, #tpu.memory_space<vmem_shared>>
        tpu.wait_dma2 semaphore(%run_scoped3A : memref<!tpu.dma_semaphore, #tpu.memory_space<semaphore_mem>>) src(%dma_wait3A_34 : memref<640x80xf32, #tpu.memory_space<vmem_shared>>) dst(%dma_wait3A_32 : memref<640x80xf32, #tpu.memory_space<hbm>>)
        tpu.yield
      }) : () -> ()
    } else {
    }
    %eq3A_24 = arith.constant 15 : i32
    %eq3A_25 = arith.cmpi eq, %arg1, %eq3A_24 : i32
    %convert_element_type3A_26 = arith.extui %eq3A_25 : i1 to i32
    %cond3A_27 = arith.constant 0 : i32
    %cond3A_28 = arith.cmpi ne, %convert_element_type3A_26, %cond3A_27 : i32
    scf.if %cond3A_28 {
      %mul3A_29 = arith.constant 10000 : i32
      %mul3A_30 = arith.muli %arg0, %mul3A_29 : i32
      %add3A_31 = arith.constant 9600 : i32
      %add3A_32 = arith.addi %mul3A_30, %add3A_31 : i32
      %multiple_of3A_33 = tpu.assume_multiple %add3A_32, 8 : i32
      "tpu.region"() ({
        %run_scoped3A = tpu.sem_alloc : memref<!tpu.dma_semaphore, #tpu.memory_space<semaphore_mem>>
        %dma_start3A = arith.constant 0 : i32
        %dma_start3A_34 = tpu.memref_slice %arg7[%multiple_of3A_33, %dma_start3A] : memref<20000x80xf32, #tpu.memory_space<hbm>> -> memref<400x80xf32, #tpu.memory_space<hbm>>
        %dma_start3A_35 = arith.constant 9600 : i32
        %dma_start3A_36 = arith.constant 0 : i32
        %dma_start3A_37 = tpu.memref_slice %arg12[%dma_start3A_35, %dma_start3A_36] : memref<10000x80xf32, #tpu.memory_space<vmem_shared>> -> memref<400x80xf32, #tpu.memory_space<vmem_shared>>
        tpu.enqueue_dma source(%dma_start3A_37 : memref<400x80xf32, #tpu.memory_space<vmem_shared>>) target(%dma_start3A_34 : memref<400x80xf32, #tpu.memory_space<hbm>>) target_semaphore(%run_scoped3A : memref<!tpu.dma_semaphore, #tpu.memory_space<semaphore_mem>>)
        %dma_wait3A = arith.constant 0 : i32
        %dma_wait3A_38 = tpu.memref_slice %arg7[%multiple_of3A_33, %dma_wait3A] : memref<20000x80xf32, #tpu.memory_space<hbm>> -> memref<400x80xf32, #tpu.memory_space<hbm>>
        %dma_wait3A_39 = arith.constant 9600 : i32
        %dma_wait3A_40 = arith.constant 0 : i32
        %dma_wait3A_41 = tpu.memref_slice %arg12[%dma_wait3A_39, %dma_wait3A_40] : memref<10000x80xf32, #tpu.memory_space<vmem_shared>> -> memref<400x80xf32, #tpu.memory_space<vmem_shared>>
        tpu.wait_dma2 semaphore(%run_scoped3A : memref<!tpu.dma_semaphore, #tpu.memory_space<semaphore_mem>>) src(%dma_wait3A_41 : memref<400x80xf32, #tpu.memory_space<vmem_shared>>) dst(%dma_wait3A_38 : memref<400x80xf32, #tpu.memory_space<hbm>>)
        tpu.yield
      }) : () -> ()
    } else {
    }
    return
  }
}

#map = affine_map<(d0, d1) -> (0, 0)>
#map1 = affine_map<(d0, d1) -> (0)>
module attributes {stable_mosaic.version = 14 : i64} {
  func.func @_edge_body12(%arg0: i32, %arg1: i32, %arg2: memref<10000x144xf32, #tpu.memory_space<hbm>>, %arg3: memref<10000x144xf32, #tpu.memory_space<hbm>>, %arg4: memref<10000x16xf32, #tpu.memory_space<hbm>>, %arg5: memref<10000x16xf32, #tpu.memory_space<hbm>>, %arg6: memref<320000xi32, #tpu.memory_space<hbm>>, %arg7: memref<320000xi32, #tpu.memory_space<hbm>>, %arg8: memref<10000x144xf32, #tpu.memory_space<hbm>>, %arg9: memref<20000x144xf32, #tpu.memory_space<hbm>>, %arg10: memref<160xi32, #tpu.memory_space<vmem>>, %arg11: memref<160xi32, #tpu.memory_space<vmem>>, %arg12: memref<160x144xf32, #tpu.memory_space<vmem>>, %arg13: memref<160x16xf32, #tpu.memory_space<vmem>>, %arg14: memref<10000x144xf32, #tpu.memory_space<vmem_shared>>, %arg15: memref<!tpu.dma_semaphore, #tpu.memory_space<semaphore_mem>>, %arg16: memref<!tpu.dma_semaphore, #tpu.memory_space<semaphore_mem>>) attributes {dimension_semantics = [#tpu.dimension_semantics<core_parallel>, #tpu.dimension_semantics<subcore_parallel>], iteration_bounds = array<i64: 2, 16>, scalar_prefetch = 0 : i64, scratch_operands = 7 : i64, tpu.core_type = #tpu.core_type<sc_vector_subcore>, window_params = [{transform_indices = #map}, {transform_indices = #map}, {transform_indices = #map}, {transform_indices = #map}, {transform_indices = #map1}, {transform_indices = #map1}, {transform_indices = #map}, {transform_indices = #map}]} {
    %mul3A = arith.constant 640 : i32
    %mul3A_0 = arith.muli %arg1, %mul3A : i32
    %multiple_of3A = tpu.assume_multiple %mul3A_0, 8 : i32
    %lt3A = arith.constant 15 : i32
    %lt3A_1 = arith.cmpi slt, %arg1, %lt3A : i32
    %convert_element_type3A = arith.extui %lt3A_1 : i1 to i32
    %cond3A = arith.constant 0 : i32
    %cond3A_2 = arith.cmpi ne, %convert_element_type3A, %cond3A : i32
    scf.if %cond3A_2 {
      "tpu.region"() ({
        %run_scoped3A = tpu.sem_alloc : memref<!tpu.dma_semaphore, #tpu.memory_space<semaphore_mem>>
        %dma_start3A = arith.constant 0 : i32
        %dma_start3A_26 = tpu.memref_slice %arg14[%multiple_of3A, %dma_start3A] : memref<10000x144xf32, #tpu.memory_space<vmem_shared>> -> memref<640x144xf32, #tpu.memory_space<vmem_shared>>
        %dma_start3A_27 = arith.constant 0 : i32
        %dma_start3A_28 = tpu.memref_slice %arg8[%multiple_of3A, %dma_start3A_27] : memref<10000x144xf32, #tpu.memory_space<hbm>> -> memref<640x144xf32, #tpu.memory_space<hbm>>
        tpu.enqueue_dma source(%dma_start3A_28 : memref<640x144xf32, #tpu.memory_space<hbm>>) target(%dma_start3A_26 : memref<640x144xf32, #tpu.memory_space<vmem_shared>>) target_semaphore(%run_scoped3A : memref<!tpu.dma_semaphore, #tpu.memory_space<semaphore_mem>>)
        %dma_wait3A = arith.constant 0 : i32
        %dma_wait3A_29 = tpu.memref_slice %arg14[%multiple_of3A, %dma_wait3A] : memref<10000x144xf32, #tpu.memory_space<vmem_shared>> -> memref<640x144xf32, #tpu.memory_space<vmem_shared>>
        %dma_wait3A_30 = arith.constant 0 : i32
        %dma_wait3A_31 = tpu.memref_slice %arg8[%multiple_of3A, %dma_wait3A_30] : memref<10000x144xf32, #tpu.memory_space<hbm>> -> memref<640x144xf32, #tpu.memory_space<hbm>>
        tpu.wait_dma2 semaphore(%run_scoped3A : memref<!tpu.dma_semaphore, #tpu.memory_space<semaphore_mem>>) src(%dma_wait3A_31 : memref<640x144xf32, #tpu.memory_space<hbm>>) dst(%dma_wait3A_29 : memref<640x144xf32, #tpu.memory_space<vmem_shared>>)
        tpu.yield
      }) : () -> ()
    } else {
    }
    %eq3A = arith.constant 15 : i32
    %eq3A_3 = arith.cmpi eq, %arg1, %eq3A : i32
    %convert_element_type3A_4 = arith.extui %eq3A_3 : i1 to i32
    %cond3A_5 = arith.constant 0 : i32
    %cond3A_6 = arith.cmpi ne, %convert_element_type3A_4, %cond3A_5 : i32
    scf.if %cond3A_6 {
      "tpu.region"() ({
        %run_scoped3A = tpu.sem_alloc : memref<!tpu.dma_semaphore, #tpu.memory_space<semaphore_mem>>
        %dma_start3A = arith.constant 9600 : i32
        %dma_start3A_26 = arith.constant 0 : i32
        %dma_start3A_27 = tpu.memref_slice %arg14[%dma_start3A, %dma_start3A_26] : memref<10000x144xf32, #tpu.memory_space<vmem_shared>> -> memref<400x144xf32, #tpu.memory_space<vmem_shared>>
        %dma_start3A_28 = arith.constant 9600 : i32
        %dma_start3A_29 = arith.constant 0 : i32
        %dma_start3A_30 = tpu.memref_slice %arg8[%dma_start3A_28, %dma_start3A_29] : memref<10000x144xf32, #tpu.memory_space<hbm>> -> memref<400x144xf32, #tpu.memory_space<hbm>>
        tpu.enqueue_dma source(%dma_start3A_30 : memref<400x144xf32, #tpu.memory_space<hbm>>) target(%dma_start3A_27 : memref<400x144xf32, #tpu.memory_space<vmem_shared>>) target_semaphore(%run_scoped3A : memref<!tpu.dma_semaphore, #tpu.memory_space<semaphore_mem>>)
        %dma_wait3A = arith.constant 9600 : i32
        %dma_wait3A_31 = arith.constant 0 : i32
        %dma_wait3A_32 = tpu.memref_slice %arg14[%dma_wait3A, %dma_wait3A_31] : memref<10000x144xf32, #tpu.memory_space<vmem_shared>> -> memref<400x144xf32, #tpu.memory_space<vmem_shared>>
        %dma_wait3A_33 = arith.constant 9600 : i32
        %dma_wait3A_34 = arith.constant 0 : i32
        %dma_wait3A_35 = tpu.memref_slice %arg8[%dma_wait3A_33, %dma_wait3A_34] : memref<10000x144xf32, #tpu.memory_space<hbm>> -> memref<400x144xf32, #tpu.memory_space<hbm>>
        tpu.wait_dma2 semaphore(%run_scoped3A : memref<!tpu.dma_semaphore, #tpu.memory_space<semaphore_mem>>) src(%dma_wait3A_35 : memref<400x144xf32, #tpu.memory_space<hbm>>) dst(%dma_wait3A_32 : memref<400x144xf32, #tpu.memory_space<vmem_shared>>)
        tpu.yield
      }) : () -> ()
    } else {
    }
    %barrier3A = arith.constant 0 : index
    tpu.barrier barrier_id(%barrier3A)
    %scan3A = arith.constant 0 : i32
    %scan3A_7 = arith.constant 0 : i32
    %scan3A_8 = arith.constant 125 : i32
    %scan3A_9 = arith.addi %scan3A_7, %scan3A_8 : i32
    %scan3A_10 = arith.constant 1 : i32
    scf.for %scan3A_26 = %scan3A_7 to %scan3A_9 step %scan3A_10  : i32 {
      %mul3A_27 = arith.constant 20000 : i32
      %mul3A_28 = arith.muli %arg1, %mul3A_27 : i32
      %mul3A_29 = arith.constant 160 : i32
      %mul3A_30 = arith.muli %scan3A_26, %mul3A_29 : i32
      %add3A_31 = arith.addi %mul3A_28, %mul3A_30 : i32
      %multiple_of3A_32 = tpu.assume_multiple %add3A_31, 8 : i32
      "tpu.region"() ({
        %run_scoped3A = tpu.sem_alloc : memref<!tpu.dma_semaphore, #tpu.memory_space<semaphore_mem>>
        %dma_start3A = tpu.memref_slice %arg6[%multiple_of3A_32] : memref<320000xi32, #tpu.memory_space<hbm>> -> memref<160xi32, #tpu.memory_space<hbm>>
        %dma_start3A_59 = tpu.memref_slice %arg6[%multiple_of3A_32] : memref<320000xi32, #tpu.memory_space<hbm>> -> memref<160xi32, #tpu.memory_space<hbm>>
        tpu.enqueue_dma source(%dma_start3A_59 : memref<160xi32, #tpu.memory_space<hbm>>) target(%arg10 : memref<160xi32, #tpu.memory_space<vmem>>) target_semaphore(%run_scoped3A : memref<!tpu.dma_semaphore, #tpu.memory_space<semaphore_mem>>)
        %dma_wait3A = tpu.memref_slice %arg6[%multiple_of3A_32] : memref<320000xi32, #tpu.memory_space<hbm>> -> memref<160xi32, #tpu.memory_space<hbm>>
        %dma_wait3A_60 = tpu.memref_slice %arg6[%multiple_of3A_32] : memref<320000xi32, #tpu.memory_space<hbm>> -> memref<160xi32, #tpu.memory_space<hbm>>
        tpu.wait_dma2 semaphore(%run_scoped3A : memref<!tpu.dma_semaphore, #tpu.memory_space<semaphore_mem>>) src(%dma_wait3A_60 : memref<160xi32, #tpu.memory_space<hbm>>) dst(%arg10 : memref<160xi32, #tpu.memory_space<vmem>>)
        tpu.yield
      }) : () -> ()
      "tpu.region"() ({
        %run_scoped3A = tpu.sem_alloc : memref<!tpu.dma_semaphore, #tpu.memory_space<semaphore_mem>>
        %dma_start3A = tpu.memref_slice %arg7[%multiple_of3A_32] : memref<320000xi32, #tpu.memory_space<hbm>> -> memref<160xi32, #tpu.memory_space<hbm>>
        %dma_start3A_59 = tpu.memref_slice %arg7[%multiple_of3A_32] : memref<320000xi32, #tpu.memory_space<hbm>> -> memref<160xi32, #tpu.memory_space<hbm>>
        tpu.enqueue_dma source(%dma_start3A_59 : memref<160xi32, #tpu.memory_space<hbm>>) target(%arg11 : memref<160xi32, #tpu.memory_space<vmem>>) target_semaphore(%run_scoped3A : memref<!tpu.dma_semaphore, #tpu.memory_space<semaphore_mem>>)
        %dma_wait3A = tpu.memref_slice %arg7[%multiple_of3A_32] : memref<320000xi32, #tpu.memory_space<hbm>> -> memref<160xi32, #tpu.memory_space<hbm>>
        %dma_wait3A_60 = tpu.memref_slice %arg7[%multiple_of3A_32] : memref<320000xi32, #tpu.memory_space<hbm>> -> memref<160xi32, #tpu.memory_space<hbm>>
        tpu.wait_dma2 semaphore(%run_scoped3A : memref<!tpu.dma_semaphore, #tpu.memory_space<semaphore_mem>>) src(%dma_wait3A_60 : memref<160xi32, #tpu.memory_space<hbm>>) dst(%arg11 : memref<160xi32, #tpu.memory_space<vmem>>)
        tpu.yield
      }) : () -> ()
      %eq3A_33 = arith.constant 0 : i32
      %eq3A_34 = arith.cmpi eq, %arg0, %eq3A_33 : i32
      %convert_element_type3A_35 = arith.extui %eq3A_34 : i1 to i32
      %cond3A_36 = arith.constant 0 : i32
      %cond3A_37 = arith.cmpi ne, %convert_element_type3A_35, %cond3A_36 : i32
      scf.if %cond3A_37 {
        %dma_start3A = arith.constant 0 : i32
        %dma_start3A_59 = arith.constant 0 : i32
        %dma_start3A_60 = tpu.memref_slice %arg2[%dma_start3A, %dma_start3A_59] : memref<10000x144xf32, #tpu.memory_space<hbm>> -> memref<10000x144xf32, #tpu.memory_space<hbm>>
        tpu.enqueue_indirect_dma source(%dma_start3A_60 : memref<10000x144xf32, #tpu.memory_space<hbm>>) target(%arg12 : memref<160x144xf32, #tpu.memory_space<vmem>>) offsets(%arg10 : memref<160xi32, #tpu.memory_space<vmem>>) semaphore(%arg15 : memref<!tpu.dma_semaphore, #tpu.memory_space<semaphore_mem>>)
        %dma_wait3A = arith.constant 0 : i32
        %dma_wait3A_61 = arith.constant 0 : i32
        %dma_wait3A_62 = tpu.memref_slice %arg2[%dma_wait3A, %dma_wait3A_61] : memref<10000x144xf32, #tpu.memory_space<hbm>> -> memref<10000x144xf32, #tpu.memory_space<hbm>>
        tpu.wait_indirect_dma semaphore(%arg15 : memref<!tpu.dma_semaphore, #tpu.memory_space<semaphore_mem>>) src(%dma_wait3A_62 : memref<10000x144xf32, #tpu.memory_space<hbm>>) dst(%arg12 : memref<160x144xf32, #tpu.memory_space<vmem>>)
      } else {
      }
      %eq3A_38 = arith.constant 1 : i32
      %eq3A_39 = arith.cmpi eq, %arg0, %eq3A_38 : i32
      %convert_element_type3A_40 = arith.extui %eq3A_39 : i1 to i32
      %cond3A_41 = arith.constant 0 : i32
      %cond3A_42 = arith.cmpi ne, %convert_element_type3A_40, %cond3A_41 : i32
      scf.if %cond3A_42 {
        %dma_start3A = arith.constant 0 : i32
        %dma_start3A_59 = arith.constant 0 : i32
        %dma_start3A_60 = tpu.memref_slice %arg3[%dma_start3A, %dma_start3A_59] : memref<10000x144xf32, #tpu.memory_space<hbm>> -> memref<10000x144xf32, #tpu.memory_space<hbm>>
        tpu.enqueue_indirect_dma source(%dma_start3A_60 : memref<10000x144xf32, #tpu.memory_space<hbm>>) target(%arg12 : memref<160x144xf32, #tpu.memory_space<vmem>>) offsets(%arg10 : memref<160xi32, #tpu.memory_space<vmem>>) semaphore(%arg15 : memref<!tpu.dma_semaphore, #tpu.memory_space<semaphore_mem>>)
        %dma_wait3A = arith.constant 0 : i32
        %dma_wait3A_61 = arith.constant 0 : i32
        %dma_wait3A_62 = tpu.memref_slice %arg3[%dma_wait3A, %dma_wait3A_61] : memref<10000x144xf32, #tpu.memory_space<hbm>> -> memref<10000x144xf32, #tpu.memory_space<hbm>>
        tpu.wait_indirect_dma semaphore(%arg15 : memref<!tpu.dma_semaphore, #tpu.memory_space<semaphore_mem>>) src(%dma_wait3A_62 : memref<10000x144xf32, #tpu.memory_space<hbm>>) dst(%arg12 : memref<160x144xf32, #tpu.memory_space<vmem>>)
      } else {
      }
      %eq3A_43 = arith.constant 0 : i32
      %eq3A_44 = arith.cmpi eq, %arg0, %eq3A_43 : i32
      %convert_element_type3A_45 = arith.extui %eq3A_44 : i1 to i32
      %cond3A_46 = arith.constant 0 : i32
      %cond3A_47 = arith.cmpi ne, %convert_element_type3A_45, %cond3A_46 : i32
      scf.if %cond3A_47 {
        %dma_start3A = arith.constant 0 : i32
        %dma_start3A_59 = arith.constant 0 : i32
        %dma_start3A_60 = tpu.memref_slice %arg4[%dma_start3A, %dma_start3A_59] : memref<10000x16xf32, #tpu.memory_space<hbm>> -> memref<10000x16xf32, #tpu.memory_space<hbm>>
        tpu.enqueue_indirect_dma source(%dma_start3A_60 : memref<10000x16xf32, #tpu.memory_space<hbm>>) target(%arg13 : memref<160x16xf32, #tpu.memory_space<vmem>>) offsets(%arg11 : memref<160xi32, #tpu.memory_space<vmem>>) semaphore(%arg16 : memref<!tpu.dma_semaphore, #tpu.memory_space<semaphore_mem>>)
        %dma_wait3A = arith.constant 0 : i32
        %dma_wait3A_61 = arith.constant 0 : i32
        %dma_wait3A_62 = tpu.memref_slice %arg4[%dma_wait3A, %dma_wait3A_61] : memref<10000x16xf32, #tpu.memory_space<hbm>> -> memref<10000x16xf32, #tpu.memory_space<hbm>>
        tpu.wait_indirect_dma semaphore(%arg16 : memref<!tpu.dma_semaphore, #tpu.memory_space<semaphore_mem>>) src(%dma_wait3A_62 : memref<10000x16xf32, #tpu.memory_space<hbm>>) dst(%arg13 : memref<160x16xf32, #tpu.memory_space<vmem>>)
      } else {
      }
      %eq3A_48 = arith.constant 1 : i32
      %eq3A_49 = arith.cmpi eq, %arg0, %eq3A_48 : i32
      %convert_element_type3A_50 = arith.extui %eq3A_49 : i1 to i32
      %cond3A_51 = arith.constant 0 : i32
      %cond3A_52 = arith.cmpi ne, %convert_element_type3A_50, %cond3A_51 : i32
      scf.if %cond3A_52 {
        %dma_start3A = arith.constant 0 : i32
        %dma_start3A_59 = arith.constant 0 : i32
        %dma_start3A_60 = tpu.memref_slice %arg5[%dma_start3A, %dma_start3A_59] : memref<10000x16xf32, #tpu.memory_space<hbm>> -> memref<10000x16xf32, #tpu.memory_space<hbm>>
        tpu.enqueue_indirect_dma source(%dma_start3A_60 : memref<10000x16xf32, #tpu.memory_space<hbm>>) target(%arg13 : memref<160x16xf32, #tpu.memory_space<vmem>>) offsets(%arg11 : memref<160xi32, #tpu.memory_space<vmem>>) semaphore(%arg16 : memref<!tpu.dma_semaphore, #tpu.memory_space<semaphore_mem>>)
        %dma_wait3A = arith.constant 0 : i32
        %dma_wait3A_61 = arith.constant 0 : i32
        %dma_wait3A_62 = tpu.memref_slice %arg5[%dma_wait3A, %dma_wait3A_61] : memref<10000x16xf32, #tpu.memory_space<hbm>> -> memref<10000x16xf32, #tpu.memory_space<hbm>>
        tpu.wait_indirect_dma semaphore(%arg16 : memref<!tpu.dma_semaphore, #tpu.memory_space<semaphore_mem>>) src(%dma_wait3A_62 : memref<10000x16xf32, #tpu.memory_space<hbm>>) dst(%arg13 : memref<160x16xf32, #tpu.memory_space<vmem>>)
      } else {
      }
      %scan3A_53 = arith.constant 0 : i32
      %scan3A_54 = arith.constant 0 : i32
      %scan3A_55 = arith.constant 160 : i32
      %scan3A_56 = arith.addi %scan3A_54, %scan3A_55 : i32
      %scan3A_57 = arith.constant 1 : i32
      scf.for %scan3A_59 = %scan3A_54 to %scan3A_56 step %scan3A_57  : i32 {
        %get3A = arith.index_cast %scan3A_59 : i32 to index
        %get3A_60 = arith.constant 128 : index
        %get3A_61 = tpu.vector_load %arg12[%get3A, %get3A_60] {strides = array<i32>} : memref<160x144xf32, #tpu.memory_space<vmem>>, vector<1x16xf32>,
        %get3A_62 = vector.shape_cast %get3A_61 : vector<1x16xf32> to vector<16xf32>
        %get3A_63 = arith.index_cast %scan3A_59 : i32 to index
        %get3A_64 = arith.constant 0 : index
        %get3A_65 = tpu.vector_load %arg13[%get3A_63, %get3A_64] {strides = array<i32>} : memref<160x16xf32, #tpu.memory_space<vmem>>, vector<1x16xf32>,
        %get3A_66 = vector.shape_cast %get3A_65 : vector<1x16xf32> to vector<16xf32>
        %add3A_67 = arith.addf %get3A_62, %get3A_66 : vector<16xf32>
        %ge3A = arith.constant 0.000000e+00 : f32
        %ge3A_68 = vector.broadcast %ge3A : f32 to vector<16xf32>
        %ge3A_69 = arith.cmpf oge, %add3A_67, %ge3A_68 : vector<16xf32>
        %mul3A_70 = arith.constant 2.000000e-01 : f32
        %mul3A_71 = vector.broadcast %mul3A_70 : f32 to vector<16xf32>
        %mul3A_72 = arith.mulf %mul3A_71, %add3A_67 : vector<16xf32>
        %select_n3A = arith.select %ge3A_69, %add3A_67, %mul3A_72 : vector<16xi1>, vector<16xf32>
        %exp3A = math.exp %select_n3A : vector<16xf32>
        %swap3A = arith.index_cast %scan3A_59 : i32 to index
        %swap3A_73 = arith.constant 128 : index
        %swap3A_74 = tpu.vector_load %arg12[%swap3A, %swap3A_73] {strides = array<i32>} : memref<160x144xf32, #tpu.memory_space<vmem>>, vector<1x16xf32>,
        %swap3A_75 = vector.shape_cast %swap3A_74 : vector<1x16xf32> to vector<16xf32>
        %swap3A_76 = vector.shape_cast %exp3A : vector<16xf32> to vector<1x16xf32>
        tpu.vector_store %arg12[%swap3A, %swap3A_73], %swap3A_76 {strides = array<i32>} : memref<160x144xf32, #tpu.memory_space<vmem>>, vector<1x16xf32>,
        %slice3A = vector.extract_strided_slice %exp3A {offsets = [0], sizes = [1], strides = [1]} : vector<16xf32> to vector<1xf32>
        %squeeze3A = vector.extract %slice3A[0] : f32 from vector<1xf32>
        %slice3A_77 = vector.extract_strided_slice %exp3A {offsets = [1], sizes = [1], strides = [1]} : vector<16xf32> to vector<1xf32>
        %squeeze3A_78 = vector.extract %slice3A_77[0] : f32 from vector<1xf32>
        %get3A_79 = arith.index_cast %scan3A_59 : i32 to index
        %get3A_80 = arith.constant 0 : index
        %get3A_81 = tpu.vector_load %arg12[%get3A_79, %get3A_80] {strides = array<i32>} : memref<160x144xf32, #tpu.memory_space<vmem>>, vector<1x16xf32>,
        %get3A_82 = vector.shape_cast %get3A_81 : vector<1x16xf32> to vector<16xf32>
        %mul3A_83 = vector.broadcast %squeeze3A : f32 to vector<16xf32>
        %mul3A_84 = arith.mulf %get3A_82, %mul3A_83 : vector<16xf32>
        %swap3A_85 = arith.index_cast %scan3A_59 : i32 to index
        %swap3A_86 = arith.constant 0 : index
        %swap3A_87 = tpu.vector_load %arg12[%swap3A_85, %swap3A_86] {strides = array<i32>} : memref<160x144xf32, #tpu.memory_space<vmem>>, vector<1x16xf32>,
        %swap3A_88 = vector.shape_cast %swap3A_87 : vector<1x16xf32> to vector<16xf32>
        %swap3A_89 = vector.shape_cast %mul3A_84 : vector<16xf32> to vector<1x16xf32>
        tpu.vector_store %arg12[%swap3A_85, %swap3A_86], %swap3A_89 {strides = array<i32>} : memref<160x144xf32, #tpu.memory_space<vmem>>, vector<1x16xf32>,
        %get3A_90 = arith.index_cast %scan3A_59 : i32 to index
        %get3A_91 = arith.constant 16 : index
        %get3A_92 = tpu.vector_load %arg12[%get3A_90, %get3A_91] {strides = array<i32>} : memref<160x144xf32, #tpu.memory_space<vmem>>, vector<1x16xf32>,
        %get3A_93 = vector.shape_cast %get3A_92 : vector<1x16xf32> to vector<16xf32>
        %mul3A_94 = vector.broadcast %squeeze3A : f32 to vector<16xf32>
        %mul3A_95 = arith.mulf %get3A_93, %mul3A_94 : vector<16xf32>
        %swap3A_96 = arith.index_cast %scan3A_59 : i32 to index
        %swap3A_97 = arith.constant 16 : index
        %swap3A_98 = tpu.vector_load %arg12[%swap3A_96, %swap3A_97] {strides = array<i32>} : memref<160x144xf32, #tpu.memory_space<vmem>>, vector<1x16xf32>,
        %swap3A_99 = vector.shape_cast %swap3A_98 : vector<1x16xf32> to vector<16xf32>
        %swap3A_100 = vector.shape_cast %mul3A_95 : vector<16xf32> to vector<1x16xf32>
        tpu.vector_store %arg12[%swap3A_96, %swap3A_97], %swap3A_100 {strides = array<i32>} : memref<160x144xf32, #tpu.memory_space<vmem>>, vector<1x16xf32>,
        %get3A_101 = arith.index_cast %scan3A_59 : i32 to index
        %get3A_102 = arith.constant 32 : index
        %get3A_103 = tpu.vector_load %arg12[%get3A_101, %get3A_102] {strides = array<i32>} : memref<160x144xf32, #tpu.memory_space<vmem>>, vector<1x16xf32>,
        %get3A_104 = vector.shape_cast %get3A_103 : vector<1x16xf32> to vector<16xf32>
        %mul3A_105 = vector.broadcast %squeeze3A : f32 to vector<16xf32>
        %mul3A_106 = arith.mulf %get3A_104, %mul3A_105 : vector<16xf32>
        %swap3A_107 = arith.index_cast %scan3A_59 : i32 to index
        %swap3A_108 = arith.constant 32 : index
        %swap3A_109 = tpu.vector_load %arg12[%swap3A_107, %swap3A_108] {strides = array<i32>} : memref<160x144xf32, #tpu.memory_space<vmem>>, vector<1x16xf32>,
        %swap3A_110 = vector.shape_cast %swap3A_109 : vector<1x16xf32> to vector<16xf32>
        %swap3A_111 = vector.shape_cast %mul3A_106 : vector<16xf32> to vector<1x16xf32>
        tpu.vector_store %arg12[%swap3A_107, %swap3A_108], %swap3A_111 {strides = array<i32>} : memref<160x144xf32, #tpu.memory_space<vmem>>, vector<1x16xf32>,
        %get3A_112 = arith.index_cast %scan3A_59 : i32 to index
        %get3A_113 = arith.constant 48 : index
        %get3A_114 = tpu.vector_load %arg12[%get3A_112, %get3A_113] {strides = array<i32>} : memref<160x144xf32, #tpu.memory_space<vmem>>, vector<1x16xf32>,
        %get3A_115 = vector.shape_cast %get3A_114 : vector<1x16xf32> to vector<16xf32>
        %mul3A_116 = vector.broadcast %squeeze3A : f32 to vector<16xf32>
        %mul3A_117 = arith.mulf %get3A_115, %mul3A_116 : vector<16xf32>
        %swap3A_118 = arith.index_cast %scan3A_59 : i32 to index
        %swap3A_119 = arith.constant 48 : index
        %swap3A_120 = tpu.vector_load %arg12[%swap3A_118, %swap3A_119] {strides = array<i32>} : memref<160x144xf32, #tpu.memory_space<vmem>>, vector<1x16xf32>,
        %swap3A_121 = vector.shape_cast %swap3A_120 : vector<1x16xf32> to vector<16xf32>
        %swap3A_122 = vector.shape_cast %mul3A_117 : vector<16xf32> to vector<1x16xf32>
        tpu.vector_store %arg12[%swap3A_118, %swap3A_119], %swap3A_122 {strides = array<i32>} : memref<160x144xf32, #tpu.memory_space<vmem>>, vector<1x16xf32>,
        %get3A_123 = arith.index_cast %scan3A_59 : i32 to index
        %get3A_124 = arith.constant 64 : index
        %get3A_125 = tpu.vector_load %arg12[%get3A_123, %get3A_124] {strides = array<i32>} : memref<160x144xf32, #tpu.memory_space<vmem>>, vector<1x16xf32>,
        %get3A_126 = vector.shape_cast %get3A_125 : vector<1x16xf32> to vector<16xf32>
        %mul3A_127 = vector.broadcast %squeeze3A_78 : f32 to vector<16xf32>
        %mul3A_128 = arith.mulf %get3A_126, %mul3A_127 : vector<16xf32>
        %swap3A_129 = arith.index_cast %scan3A_59 : i32 to index
        %swap3A_130 = arith.constant 64 : index
        %swap3A_131 = tpu.vector_load %arg12[%swap3A_129, %swap3A_130] {strides = array<i32>} : memref<160x144xf32, #tpu.memory_space<vmem>>, vector<1x16xf32>,
        %swap3A_132 = vector.shape_cast %swap3A_131 : vector<1x16xf32> to vector<16xf32>
        %swap3A_133 = vector.shape_cast %mul3A_128 : vector<16xf32> to vector<1x16xf32>
        tpu.vector_store %arg12[%swap3A_129, %swap3A_130], %swap3A_133 {strides = array<i32>} : memref<160x144xf32, #tpu.memory_space<vmem>>, vector<1x16xf32>,
        %get3A_134 = arith.index_cast %scan3A_59 : i32 to index
        %get3A_135 = arith.constant 80 : index
        %get3A_136 = tpu.vector_load %arg12[%get3A_134, %get3A_135] {strides = array<i32>} : memref<160x144xf32, #tpu.memory_space<vmem>>, vector<1x16xf32>,
        %get3A_137 = vector.shape_cast %get3A_136 : vector<1x16xf32> to vector<16xf32>
        %mul3A_138 = vector.broadcast %squeeze3A_78 : f32 to vector<16xf32>
        %mul3A_139 = arith.mulf %get3A_137, %mul3A_138 : vector<16xf32>
        %swap3A_140 = arith.index_cast %scan3A_59 : i32 to index
        %swap3A_141 = arith.constant 80 : index
        %swap3A_142 = tpu.vector_load %arg12[%swap3A_140, %swap3A_141] {strides = array<i32>} : memref<160x144xf32, #tpu.memory_space<vmem>>, vector<1x16xf32>,
        %swap3A_143 = vector.shape_cast %swap3A_142 : vector<1x16xf32> to vector<16xf32>
        %swap3A_144 = vector.shape_cast %mul3A_139 : vector<16xf32> to vector<1x16xf32>
        tpu.vector_store %arg12[%swap3A_140, %swap3A_141], %swap3A_144 {strides = array<i32>} : memref<160x144xf32, #tpu.memory_space<vmem>>, vector<1x16xf32>,
        %get3A_145 = arith.index_cast %scan3A_59 : i32 to index
        %get3A_146 = arith.constant 96 : index
        %get3A_147 = tpu.vector_load %arg12[%get3A_145, %get3A_146] {strides = array<i32>} : memref<160x144xf32, #tpu.memory_space<vmem>>, vector<1x16xf32>,
        %get3A_148 = vector.shape_cast %get3A_147 : vector<1x16xf32> to vector<16xf32>
        %mul3A_149 = vector.broadcast %squeeze3A_78 : f32 to vector<16xf32>
        %mul3A_150 = arith.mulf %get3A_148, %mul3A_149 : vector<16xf32>
        %swap3A_151 = arith.index_cast %scan3A_59 : i32 to index
        %swap3A_152 = arith.constant 96 : index
        %swap3A_153 = tpu.vector_load %arg12[%swap3A_151, %swap3A_152] {strides = array<i32>} : memref<160x144xf32, #tpu.memory_space<vmem>>, vector<1x16xf32>,
        %swap3A_154 = vector.shape_cast %swap3A_153 : vector<1x16xf32> to vector<16xf32>
        %swap3A_155 = vector.shape_cast %mul3A_150 : vector<16xf32> to vector<1x16xf32>
        tpu.vector_store %arg12[%swap3A_151, %swap3A_152], %swap3A_155 {strides = array<i32>} : memref<160x144xf32, #tpu.memory_space<vmem>>, vector<1x16xf32>,
        %get3A_156 = arith.index_cast %scan3A_59 : i32 to index
        %get3A_157 = arith.constant 112 : index
        %get3A_158 = tpu.vector_load %arg12[%get3A_156, %get3A_157] {strides = array<i32>} : memref<160x144xf32, #tpu.memory_space<vmem>>, vector<1x16xf32>,
        %get3A_159 = vector.shape_cast %get3A_158 : vector<1x16xf32> to vector<16xf32>
        %mul3A_160 = vector.broadcast %squeeze3A_78 : f32 to vector<16xf32>
        %mul3A_161 = arith.mulf %get3A_159, %mul3A_160 : vector<16xf32>
        %swap3A_162 = arith.index_cast %scan3A_59 : i32 to index
        %swap3A_163 = arith.constant 112 : index
        %swap3A_164 = tpu.vector_load %arg12[%swap3A_162, %swap3A_163] {strides = array<i32>} : memref<160x144xf32, #tpu.memory_space<vmem>>, vector<1x16xf32>,
        %swap3A_165 = vector.shape_cast %swap3A_164 : vector<1x16xf32> to vector<16xf32>
        %swap3A_166 = vector.shape_cast %mul3A_161 : vector<16xf32> to vector<1x16xf32>
        tpu.vector_store %arg12[%swap3A_162, %swap3A_163], %swap3A_166 {strides = array<i32>} : memref<160x144xf32, #tpu.memory_space<vmem>>, vector<1x16xf32>,
      }
      %scan3A_58 = arith.constant 160 : i32
      "tpu.region"() ({
        %run_scoped3A = tpu.sem_alloc : memref<!tpu.dma_semaphore, #tpu.memory_space<semaphore_mem>>
        %dma_start3A = arith.constant 0 : i32
        %dma_start3A_59 = arith.constant 0 : i32
        %dma_start3A_60 = tpu.memref_slice %arg14[%dma_start3A, %dma_start3A_59] : memref<10000x144xf32, #tpu.memory_space<vmem_shared>> -> memref<10000x144xf32, #tpu.memory_space<vmem_shared>>
        tpu.enqueue_indirect_dma source(%arg12 : memref<160x144xf32, #tpu.memory_space<vmem>>) target(%dma_start3A_60 : memref<10000x144xf32, #tpu.memory_space<vmem_shared>>) offsets(%arg11 : memref<160xi32, #tpu.memory_space<vmem>>) semaphore(%run_scoped3A : memref<!tpu.dma_semaphore, #tpu.memory_space<semaphore_mem>>) {add = true}
        %dma_wait3A = arith.constant 0 : i32
        %dma_wait3A_61 = arith.constant 0 : i32
        %dma_wait3A_62 = tpu.memref_slice %arg14[%dma_wait3A, %dma_wait3A_61] : memref<10000x144xf32, #tpu.memory_space<vmem_shared>> -> memref<10000x144xf32, #tpu.memory_space<vmem_shared>>
        tpu.wait_indirect_dma semaphore(%run_scoped3A : memref<!tpu.dma_semaphore, #tpu.memory_space<semaphore_mem>>) src(%arg12 : memref<160x144xf32, #tpu.memory_space<vmem>>) dst(%dma_wait3A_62 : memref<10000x144xf32, #tpu.memory_space<vmem_shared>>)
        tpu.yield
      }) : () -> ()
    }
    %scan3A_11 = arith.constant 125 : i32
    %barrier3A_12 = arith.constant 0 : index
    tpu.barrier barrier_id(%barrier3A_12)
    %mul3A_13 = arith.constant 10000 : i32
    %mul3A_14 = arith.muli %arg0, %mul3A_13 : i32
    %add3A = arith.addi %mul3A_14, %multiple_of3A : i32
    %multiple_of3A_15 = tpu.assume_multiple %add3A, 8 : i32
    %lt3A_16 = arith.constant 15 : i32
    %lt3A_17 = arith.cmpi slt, %arg1, %lt3A_16 : i32
    %convert_element_type3A_18 = arith.extui %lt3A_17 : i1 to i32
    %cond3A_19 = arith.constant 0 : i32
    %cond3A_20 = arith.cmpi ne, %convert_element_type3A_18, %cond3A_19 : i32
    scf.if %cond3A_20 {
      "tpu.region"() ({
        %run_scoped3A = tpu.sem_alloc : memref<!tpu.dma_semaphore, #tpu.memory_space<semaphore_mem>>
        %dma_start3A = arith.constant 0 : i32
        %dma_start3A_26 = tpu.memref_slice %arg9[%multiple_of3A_15, %dma_start3A] : memref<20000x144xf32, #tpu.memory_space<hbm>> -> memref<640x144xf32, #tpu.memory_space<hbm>>
        %dma_start3A_27 = arith.constant 0 : i32
        %dma_start3A_28 = tpu.memref_slice %arg14[%multiple_of3A, %dma_start3A_27] : memref<10000x144xf32, #tpu.memory_space<vmem_shared>> -> memref<640x144xf32, #tpu.memory_space<vmem_shared>>
        tpu.enqueue_dma source(%dma_start3A_28 : memref<640x144xf32, #tpu.memory_space<vmem_shared>>) target(%dma_start3A_26 : memref<640x144xf32, #tpu.memory_space<hbm>>) target_semaphore(%run_scoped3A : memref<!tpu.dma_semaphore, #tpu.memory_space<semaphore_mem>>)
        %dma_wait3A = arith.constant 0 : i32
        %dma_wait3A_29 = tpu.memref_slice %arg9[%multiple_of3A_15, %dma_wait3A] : memref<20000x144xf32, #tpu.memory_space<hbm>> -> memref<640x144xf32, #tpu.memory_space<hbm>>
        %dma_wait3A_30 = arith.constant 0 : i32
        %dma_wait3A_31 = tpu.memref_slice %arg14[%multiple_of3A, %dma_wait3A_30] : memref<10000x144xf32, #tpu.memory_space<vmem_shared>> -> memref<640x144xf32, #tpu.memory_space<vmem_shared>>
        tpu.wait_dma2 semaphore(%run_scoped3A : memref<!tpu.dma_semaphore, #tpu.memory_space<semaphore_mem>>) src(%dma_wait3A_31 : memref<640x144xf32, #tpu.memory_space<vmem_shared>>) dst(%dma_wait3A_29 : memref<640x144xf32, #tpu.memory_space<hbm>>)
        tpu.yield
      }) : () -> ()
    } else {
    }
    %eq3A_21 = arith.constant 15 : i32
    %eq3A_22 = arith.cmpi eq, %arg1, %eq3A_21 : i32
    %convert_element_type3A_23 = arith.extui %eq3A_22 : i1 to i32
    %cond3A_24 = arith.constant 0 : i32
    %cond3A_25 = arith.cmpi ne, %convert_element_type3A_23, %cond3A_24 : i32
    scf.if %cond3A_25 {
      %mul3A_26 = arith.constant 10000 : i32
      %mul3A_27 = arith.muli %arg0, %mul3A_26 : i32
      %add3A_28 = arith.constant 9600 : i32
      %add3A_29 = arith.addi %mul3A_27, %add3A_28 : i32
      %multiple_of3A_30 = tpu.assume_multiple %add3A_29, 8 : i32
      "tpu.region"() ({
        %run_scoped3A = tpu.sem_alloc : memref<!tpu.dma_semaphore, #tpu.memory_space<semaphore_mem>>
        %dma_start3A = arith.constant 0 : i32
        %dma_start3A_31 = tpu.memref_slice %arg9[%multiple_of3A_30, %dma_start3A] : memref<20000x144xf32, #tpu.memory_space<hbm>> -> memref<400x144xf32, #tpu.memory_space<hbm>>
        %dma_start3A_32 = arith.constant 9600 : i32
        %dma_start3A_33 = arith.constant 0 : i32
        %dma_start3A_34 = tpu.memref_slice %arg14[%dma_start3A_32, %dma_start3A_33] : memref<10000x144xf32, #tpu.memory_space<vmem_shared>> -> memref<400x144xf32, #tpu.memory_space<vmem_shared>>
        tpu.enqueue_dma source(%dma_start3A_34 : memref<400x144xf32, #tpu.memory_space<vmem_shared>>) target(%dma_start3A_31 : memref<400x144xf32, #tpu.memory_space<hbm>>) target_semaphore(%run_scoped3A : memref<!tpu.dma_semaphore, #tpu.memory_space<semaphore_mem>>)
        %dma_wait3A = arith.constant 0 : i32
        %dma_wait3A_35 = tpu.memref_slice %arg9[%multiple_of3A_30, %dma_wait3A] : memref<20000x144xf32, #tpu.memory_space<hbm>> -> memref<400x144xf32, #tpu.memory_space<hbm>>
        %dma_wait3A_36 = arith.constant 9600 : i32
        %dma_wait3A_37 = arith.constant 0 : i32
        %dma_wait3A_38 = tpu.memref_slice %arg14[%dma_wait3A_36, %dma_wait3A_37] : memref<10000x144xf32, #tpu.memory_space<vmem_shared>> -> memref<400x144xf32, #tpu.memory_space<vmem_shared>>
        tpu.wait_dma2 semaphore(%run_scoped3A : memref<!tpu.dma_semaphore, #tpu.memory_space<semaphore_mem>>) src(%dma_wait3A_38 : memref<400x144xf32, #tpu.memory_space<vmem_shared>>) dst(%dma_wait3A_35 : memref<400x144xf32, #tpu.memory_space<hbm>>)
        tpu.yield
      }) : () -> ()
    } else {
    }
    return
  }
}

</mosaic_0001>

<sc_bundles>
// kernel: kernel.11.cloned.1.call-start
scs
__scs_entry_jumppad:
0x0: {  	(pc) =	sbr.rel $0x88, $3  }
0x1: {  	(tag) =	ssettag $0x0;
	lr =	simm.s32 $0x1  }
0x2: {  	[smem:$0x3F86] =	sst lr;
	_ =	strace $0xD0000000  }
0x3: {  	_ = 	snop  }
0x4: {  	_ = 	snop  }
0x5: {  	_ = 	snop  }
0x6: {  	_ = 	snop  }
0x7: {  	_ = 	snop  }
__scs_overlays_trampoline_lowered:
0x8: {  	[smem:$0x3F95] =	sst s0  }
0x9: {  	[smem:$0x3F96] =	sst s1  }
0xa: {  	[smem:$0x3F97] =	sst s2  }
0xb: {  	[smem:$0x3F98] =	sst s3  }
0xc: {  	[smem:$0x3F99] =	sst s4  }
0xd: {  	[smem:$0x3F9A] =	sst s5  }
0xe: {  	[smem:$0x3F9B] =	sst s6  }
0xf: {  	[smem:$0x3F9C] =	sst s7  }
0x10: {  	[smem:$0x3F9D] =	sst s8  }
0x11: {  	[smem:$0x3F9E] =	sst s9;
	s0 =	simm.s32 @!p0 $0x0  }
0x12: {  	s1 =	sld [smem:$0x3F84];
	s0 =	simm.s32 @p0 $0x1  }
0x13: {  	[smem:$0x3F9F] =	sst s0;
	s0 =	simm.s32 @!p1 $0x0  }
0x14: {  	s2 =	sld [smem:$0x3F83];
	s0 =	simm.s32 @p1 $0x1  }
0x15: {  	[smem:$0x3FA0] =	sst s0;
	s0 =	simm.s32 @!p2 $0x0  }
0x16: {  	s3 =	sld [smem:$0x3FDB];
	s0 =	simm.s32 @p2 $0x1  }
0x17: {  	s4 =	simm.s32 $0x1BF5;
	[smem:$0x3FA2] =	sst s0  }
0x18: {  	s0 =	sld [smem:$0x3F85];
	_ =	swait.ge [sflag:s4], $0x0  }
0x19: {  	s7 =	sld [smem:$0x3F86]  }
0x1a: {  	s8 =	sadd.s32 $0xFFFFE003, lr  }
0x1b: {  	s9 =	sadd.s32 $0xFFFFFEF7, lr;
	s5 =	simm.s32 $0xFFFFFFFF;
	p2 =	slt.u32 s8, $0xFFFFF086  }
0x1c: {  	p1 =	slt.u32 s9, $0xF7A;
	s5 =	simm.s32 @!p2 $0x0  }
0x1d: {  	s5 =	simm.s32 @p1 $0x1;
	p0 =	seq.s32 s7, s2  }
0x1e: {  	s7 =	smul.u32 @!p0 $0xF7A, s2;
	p2 =	seq.s32 @!p0 s5, $0x0  }
0x1f: {  	s9 =	smul.u32 $0xF7A, s1;
	s8 =	simm.s32 @!p0 $0x1BF5;
	p2 =	por !p2, p0  }
0x20: {  	[sflag:s8] =	ssyncset.s32 @!p0 $0xFFFFF086;
	s6 =	sadd.s32 @!p0 s3, s7;
	s7 =	simm.s32 @!p0 $0x108  }
0x21: {  	s3 =	sadd.s32 s3, s9;
	s6 =	sadd.s32 @!p0 $0x88, s6;
	s7 =	simm.s32 @p2 $0x1082  }
0x22: {  	[simem:s7], [sflag:s8] =	dma.local @!p0 [hbm:s6], $0xF7A  }
0x23: {  	s9 =	sor.u32 $0xD0000000, s2;
	s6 =	simm.s32 $0x108;
	_ =	swait.ge @!p0 [sflag:s8], $0x0  }
0x24: {  	s3 =	sadd.s32 $0x88, s3;
	s6 =	simm.s32 @!p1 $0x1082;
	[sflag:s4] =	ssyncset.s32 $0xFFFFF086  }
0x25: {  	[simem:s6], [sflag:s4] =	dma.local [hbm:s3], $0xF7A  }
0x26: {  	[smem:$0x3F86] =	sst s1;
	(tag) =	ssettag s2;
	_ =	strace s9  }
0x27: {  	s1 =	sld [smem:$0x3F96]  }
0x28: {  	s2 =	sld [smem:$0x3F97]  }
0x29: {  	s4 =	sld [smem:$0x3F99]  }
0x2a: {  	p0 =	seq.s32 s5, $0x0;
	s5 =	sld [smem:$0x3F9A]  }
0x2b: {  	s6 =	sld [smem:$0x3F9B]  }
0x2c: {  	s7 =	sld [smem:$0x3F9C]  }
0x2d: {  	s3 =	simm.s32 $0x108;
	s8 =	sld [smem:$0x3F9D]  }
0x2e: {  	s3 =	simm.s32 @!p0 $0x1082;
	s9 =	sld [smem:$0x3F9E]  }
0x2f: {  	lr =	sadd.s32 s0, s3;
	s0 =	sld [smem:$0x3F95]  }
0x30: {  	s3 =	sld [smem:$0x3F98]  }
0x31: {  	[smem:$0x3FA1] =	sst s10  }
0x32: {  	s10 =	sld [smem:$0x3F9F];
	_ =	sdelay $0x3  }
0x33: {  	p0 =	seq.s32 s10, $0x1;
	s10 =	sld [smem:$0x3FA1];
	_ =	sdelay $0x3  }
0x34: {  	[smem:$0x3FA1] =	sst s10  }
0x35: {  	s10 =	sld [smem:$0x3FA0];
	_ =	sdelay $0x3  }
0x36: {  	p1 =	seq.s32 s10, $0x1;
	s10 =	sld [smem:$0x3FA1];
	_ =	sdelay $0x3  }
0x37: {  	[smem:$0x3FA1] =	sst s10  }
0x38: {  	s10 =	sld [smem:$0x3FA2]  }
0x39: {  	_ = 	snop;
	(pc) =	sbr.ind lr, $3  }
0x3a: {  	_ = 	snop  }
0x3b: {  	_ = 	snop  }
0x3c: {  	p2 =	seq.s32 s10, $0x1;
	s10 =	sld [smem:$0x3FA1]  }
0x3d: {  	_ =	shalt  }
0x3e: {  	_ =	shalt  }
0x3f: {  	_ =	shalt  }
0x40: {  	_ =	shalt  }
0x41: {  	_ =	shalt  }
0x42: {  	_ =	shalt  }
0x43: {  	_ =	shalt  }
0x44: {  	_ =	shalt  }
0x45: {  	_ =	shalt  }
0x46: {  	_ =	shalt  }
0x47: {  	_ =	shalt  }
0x48: {  	_ =	shalt  }
0x49: {  	_ =	shalt  }
0x4a: {  	_ =	shalt  }
0x4b: {  	_ =	shalt  }
0x4c: {  	_ =	shalt  }
0x4d: {  	_ =	shalt  }
0x4e: {  	_ =	shalt  }
0x4f: {  	_ =	shalt  }
0x50: {  	_ =	shalt  }
0x51: {  	_ =	shalt  }
0x52: {  	_ =	shalt  }
0x53: {  	_ =	shalt  }
0x54: {  	_ =	shalt  }
0x55: {  	_ =	shalt  }
0x56: {  	_ =	shalt  }
0x57: {  	_ =	shalt  }
0x58: {  	_ =	shalt  }
0x59: {  	_ =	shalt  }
0x5a: {  	_ =	shalt  }
0x5b: {  	_ =	shalt  }
0x5c: {  	_ =	shalt  }
0x5d: {  	_ =	shalt  }
0x5e: {  	_ =	shalt  }
0x5f: {  	_ =	shalt  }
0x60: {  	_ =	shalt  }
0x61: {  	_ =	shalt  }
0x62: {  	_ =	shalt  }
0x63: {  	_ =	shalt  }
0x64: {  	_ =	shalt  }
0x65: {  	_ =	shalt  }
0x66: {  	_ =	shalt  }
0x67: {  	_ =	shalt  }
0x68: {  	_ =	shalt  }
0x69: {  	_ =	shalt  }
0x6a: {  	_ =	shalt  }
0x6b: {  	_ =	shalt  }
0x6c: {  	_ =	shalt  }
0x6d: {  	_ =	shalt  }
0x6e: {  	_ =	shalt  }
0x6f: {  	_ =	shalt  }
0x70: {  	_ =	shalt  }
0x71: {  	_ =	shalt  }
0x72: {  	_ =	shalt  }
0x73: {  	_ =	shalt  }
0x74: {  	_ =	shalt  }
0x75: {  	_ =	shalt  }
0x76: {  	_ =	shalt  }
0x77: {  	_ =	shalt  }
0x78: {  	_ =	shalt  }
0x79: {  	_ =	shalt  }
0x7a: {  	_ =	shalt  }
0x7b: {  	_ =	shalt  }
0x7c: {  	_ =	shalt  }
0x7d: {  	_ =	shalt  }
0x7e: {  	_ =	shalt  }
0x7f: {  	_ =	shalt  }
0x80: {  	_ =	shalt  }
0x81: {  	_ =	shalt  }
0x82: {  	_ =	shalt  }
0x83: {  	_ =	shalt  }
0x84: {  	_ =	shalt  }
0x85: {  	_ =	shalt  }
0x86: {  	_ =	shalt  }
0x87: {  	_ =	shalt  }
.Lfunc_end0:
.L_simem_size_0:
called_computation.2_lowered:
.L_overlay_start_0:
0x88: {  	s2 =	sld [smem:$0x3FD9]  }
0x89: {  	s3 =	sld [smem:$0x3FFE];
	_ =	sdelay $0x1  }
0x8a: {  	s1 =	srdreg.scid  }
0x8b: {  	s0 =	sand.u32 $0x1, s1  }
0x8c: {  	s16 =	sshll.u32 s0, $0xA;
	s2 =	sadd.s32 s3, s2  }
0x8d: {  	s2 =	sadd.s32 s2, s16  }
0x8e: {  	[smem:$0x3FAD] =	sst s2  }
0x8f: {  	_ = 	snop  }
0x90: {  	(tm) =	ssettm $0x1  }
0x91: {  	s17 =	sld [smem:$0x3FFB];
	_ =	sdelay $0x3  }
0x92: {  	_ =	strace s17  }
0x93: {  	s2 =	sld [smem:$0x3FFC];
	_ =	sdelay $0x3  }
0x94: {  	_ =	strace s2  }
0x95: {  	s2 =	sld [smem:$0x3FFD];
	_ =	sdelay $0x3  }
0x96: {  	_ =	strace s2  }
0x97: {  	_ =	strace $0x8FFFFFFF  }
0x98: {  	s18 =	sld [smem:$0x3FDB];
	_ =	sdelay $0x1  }
0x99: {  	s19 =	simm.s32 $_scs_section_size  }
0x9a: {  	s4 =	simm.s32 $_size__tile_overlayer_lowered;
	s5 =	simm.s32 $_tile_overlayer_lowered  }
0x9b: {  	s22 =	simm.s32 $0x1BFF;
	s21 =	sshll.u32 s5, $0x1;
	s2 =	sadd.s32 s19, s18  }
0x9c: {  	s6 =	simm.s32 $0x0;
	s20 =	sshll.u32 s4, $0x1;
	s4 =	sadd.s32 s21, s2  }
0x9d: {  	[timem:s6], [sflag:s22] =	dma.local [hbm:s4], s20  }
0x9e: {  	_ =	swait.ge [sflag:s22], s20  }
0x9f: {  	s3 =	ssub.s32 $0x0, s20;
	[sflag:s22] =	ssyncset.done $0x0  }
0xa0: {  	[sflag:s22] =	ssyncadd.s32 s3;
	_ =	sdelay $0x1  }
0xa1: {  	s23 =	simm.s32 $0x1B8B  }
0xa2: {  	_ =	swait.ge [sflag:s23], $0x1  }
0xa3: {  	[sflag:s23] =	ssyncset.done $0x0  }
0xa4: {  	s25 =	simm.s32 $0x1B8E;
	s24 =	sld [smem:$0x3FFE];
	[sflag:s23] =	ssyncadd.s32 $0xFFFFFFFF  }
0xa5: {  	s26 =	simm.s32 $execute0_lowered;
	[smem:$0x3FD2] =	sst s25  }
0xa6: {  	s4 =	sshll.u32 s26, $0x1;
	_ =	strace $0x8000004C;
	[dreg:$0x1] =	wrdreg $0xFFFFFFFF  }
0xa7: {  	s28 =	simm.s32 $_size_execute0_lowered;
	s2 =	sadd.s32 s2, s4;
	[dreg:$0x0] =	wrdreg $0x0  }
0xa8: {  	s4 =	sshll.u32 s28, $0x1;
	[dreg:$0x2] =	wrdreg s2  }
0xa9: {  	[dreg:$0x3] =	wrdreg s4  }
0xaa: {  	[dreg:$0x4] =	wrdreg $0xC0  }
0xab: {  	_ =	task [dreg:s6], $0x5FFFF  }
0xac: {  	[dreg:$0x1] =	wrdreg $0xFFFFFFFF  }
0xad: {  	[dreg:$0x0] =	wrdreg $0x60  }
0xae: {  	[dreg:$0x2] =	wrdreg s24  }
0xaf: {  	[dreg:$0x3] =	wrdreg $0x99200  }
0xb0: {  	[dreg:$0x4] =	wrdreg $0x9  }
0xb1: {  	_ =	task.clear_ibuf [dreg:s6], $0x5FFFF;
	_ =	strace $0x9000004C  }
0xb2: {  	s29 =	simm.s32 $0x9;
	_ =	strace $0x8000004E  }
0xb3: {  	_ =	swait.ge [sflag:s29], $0x1  }
0xb4: {  	[sflag:s29] =	ssyncadd.s32 $0xFFFFFFFF  }
0xb5: {  	_ =	strace $0x9000004E  }
0xb6: {  	_ =	sfence  }
0xb7: {  	s30 =	sld [smem:$0x0];
	_ =	sdelay $0x2  }
0xb8: {  	s31 =	sshll.u32 s1, $0xD;
	s1 =	sshrl.u32 s1, $0x2  }
0xb9: {  	s3 =	sand.u32 $0x4000, s31;
	s1 =	sadd.s32 s1, s30  }
0xba: {  	s0 =	sor.u32 s3, s0;
	s1 =	sshll.u32 s1, $0x11  }
0xbb: {  	s0 =	sor.u32 s1, s0  }
0xbc: {  	s0 =	sadd.s32 $0x8F2B, s0  }
0xbd: {  	[sflag:s0] =	ssyncadd.remote.s32 $0x1  }
0xbe: {  	_ =	sfence.sel $0xFFFF  }
0xbf: {  	[dreg:$0x0] =	wrdreg $0xFFFFFFFF;
	(pc) =	sbr.abs _section_cstart, $3  }
0xc0: {  	[dreg:$0x1] =	wrdreg $0xFFFFFFFF  }
0xc1: {  	_ =	task.clear_ibuf [dreg:s6], $0x2FFFF;
	_ =	strace $0x9FFFFFFF  }
0xc2: {  	(tm) =	ssettm $0x7FFFFFFF  }
0xc3: {  	_ =	shalt  }
tec
execute0_lowered:
.L_overlay_start_1:
0x0: {  	(tag) =	ssettag $0x1  }
0x1: {  	s9 =	rddreg [dreg:$0x0]  }
0x2: {  	s2 =	rddreg [dreg:$0x1]  }
0x3: {  	s0 =	rddreg [dreg:$0x2]  }
0x4: {  	s3 =	simm.s32 $0x0;
	s1 =	stileid.u32;
	s6 =	srdreg.scid  }
0x5: {  	s19 =	simm.s32 $0x320;
	s20 =	simm.s32 $0x1;
	s21 =	simm.s32 $0x8020  }
0x6: {  	s22 =	simm.s32 $0x2;
	[smem:$0x7FF] =	sst s3;
	s8 =	smul.u32 $0xC800, s1  }
0x7: {  	s4 =	sadd.s32 $0x4600, s9;
	s5 =	sadd.s32 $0x1CE00, s9;
	s10 =	sand.u32 $0x1, s6  }
0x8: {  	s6 =	sadd.s32 $0x70400, s9;
	s7 =	sadd.s32 $0x66600, s9;
	s28 =	smul.u32 $0x1900, s1  }
0x9: {  	s14 =	sadd.s32 $0x7A200, s9;
	s15 =	sadd.s32 $0xBB800, s2;
	s30 =	smul.u32 $0x32000, s1  }
0xa: {  	s17 =	sshll.u32 s1, $0x1;
	p0 =	seq.s32 s1, $0xF;
	s29 =	smul.u32 $0x186A0, s10  }
0xb: {  	_ =	strace $0x8000004D;
	s12 =	ssub.s32 $0x2, s10;
	s18 =	smul.u32 $0xC3500, s10  }
0xc: {  	s10 =	sor.u32 s10, s17;
	s11 =	sshrl.u32 s8, $0x3;
	s13 =	sshrl.u32 s12, $0x1  }
0xd: {  	s16 =	sadd.s32 s8, s2;
	s10 =	smul.u32 $0x2710, s10;
	s17 =	sshrl.u32 s30, $0x2  }
0xe: {  	s11 =	sadd.s32 s11, s9;
	s13 =	ssub.s32 s12, s13;
	s9 =	sadd.s32 $0x39500, s9  }
0xf: {  	s31 =	sshrl.u32 s18, $0x3;
	s23 =	sadd.s32 s17, s2;
	s16 =	sshrl.u32 @!p0 s16, $0x3  }
0x10: {  	s17 =	simm.s32 $0x3;
	s18 =	simm.s32 $0x190;
	s8 =	sadd.s32 $0x21E00, s11  }
0x11: {  	s11 =	sadd.s32 s28, s29;
	s12 =	sadd.s32 s14, s31;
	s13 =	smax.u32 s13, $0x1  }
0x12: {  	s11 =	sadd.s32 s14, s11;
	s14 =	sshrl.u32 @p0 s15, $0x3;
	s15 =	sshll.u32 @!p0 s1, $0x6  }
0x13: {  	s23 =	sshrl.u32 @!p0 s23, $0x3;
	s12 =	sadd.s32 $0x17700, s12;
	s15 =	sor.u32 @!p0 $0x1C03, s15  }
.LBB2_1:
0x14: {  	s24 =	simm.s32 @p0 $0x1FC3  }
0x15: {  	[spmem:s14], [sflag:s24] =	dma.local @p0 [hbm:s9], $0xFA0  }
0x16: {  	s24 =	simm.s32 @p0 $0x3  }
0x17: {  	_ =	swait.ge @p0 [sflag:s24], $0xFA0  }
0x18: {  	[sflag:s24] =	ssyncset.done @p0 $0x0  }
0x19: {  	[sflag:s24] =	ssyncadd.s32 @p0 $0xFFFFF060;
	s24 =	simm.s32 @!p0 $0x3  }
0x1a: {  	[spmem:s16], [sflag:s15] =	dma.local @!p0 [hbm:s8], $0x1900  }
0x1b: {  	_ =	swait.ge @!p0 [sflag:s24], $0x1900  }
0x1c: {  	[sflag:s24] =	ssyncset.done @!p0 $0x0  }
0x1d: {  	[sflag:s24] =	ssyncadd.s32 @!p0 $0xFFFFE700  }
0x1e: {  	s24 =	simm.s32 $0x0;
	[bflag:$0x0] =	sbarrier.arrive $0xFFFF  }
.LBB2_2:
0x1f: {  	s25 =	smul.u32 $0x190, s24;
	_ =	sdelay $0x1  }
0x20: {  	s25 =	sadd.s32 s10, s25  }
0x21: {  	s25 =	sshrl.u32 s25, $0x3  }
0x22: {  	s28 =	simm.s32 $0x0;
	s26 =	sadd.s32 s6, s25  }
0x23: {  	[tilespmem:s28], [sflag:$0x3] =	stream.linear.gather [hbm4b:s26+s28], $0x190, $0x38;
	[tilespmem:$0x15C70] =	vst v63  }
0x24: {  	_ =	swait.ge [sflag:s17], $0x190  }
0x25: {  	[sflag:s17] =	ssyncset.done $0x0  }
0x26: {  	s25 =	sadd.s32 s7, s25;
	[sflag:s17] =	ssyncadd.s32 $0xFFFFFE70  }
0x27: {  	[tilespmem:s18], [sflag:$0x3] =	stream.linear.gather [hbm4b:s25+s28], $0x190, $0x38;
	[tilespmem:$0x15C70] =	vst v63  }
0x28: {  	_ =	swait.ge [sflag:s17], $0x190  }
0x29: {  	[sflag:s17] =	ssyncset.done $0x0  }
0x2a: {  	[sflag:s17] =	ssyncadd.s32 $0xFFFFFE70  }
0x2b: {  	[tilespmem:s19], [sflag:$0x1] =	stream.indirect.gather [hbm4b:s4+s18], $0x50, s28, s18, $0xb8;
	[tilespmem:$0x15C70] =	vst v63  }
0x2c: {  	_ =	swait.ge [sflag:s20], $0x7D00  }
0x2d: {  	[sflag:s20] =	ssyncset.done $0x0  }
0x2e: {  	[sflag:s20] =	ssyncadd.s32 $0xFFFF8300  }
0x2f: {  	[tilespmem:s21], [sflag:$0x2] =	stream.indirect.gather [hbm4b:s5+s18], $0x10, s18, s18, $0xb8;
	[tilespmem:$0x15C70] =	vst v63  }
0x30: {  	_ =	swait.ge [sflag:s22], $0x1900  }
0x31: {  	[sflag:s22] =	ssyncset.done $0x0  }
0x32: {  	s25 =	simm.s32 $0x340;
	[sflag:s22] =	ssyncadd.s32 $0xFFFFE700  }
0x33: {  	s29 =	simm.s32 $0x0;
	s26 =	simm.s32 $0x340;
	s28 =	simm.s32 $0x40;
	v0 =	vld [tilespmem:s25+$0x20]  }
.LBB2_3:
0x34: {  	p1 =	sne.s32 s28, $0x63C0;
	v1 =	vld [tilespmem:s29+$0x8020];
	_ =	sdelay $0x4  }
0x35: {  	v0 =	vadd.f32 v1, v0;
	_ =	sdelay $0x1  }
0x36: {  	v1 =	vmul.f32 $2.000000030e-01, v0  }
0x37: {  	vm0 =	vge.f32 v0, $0.0e+00  }
0x38: {  	v0 =	vsel vm0, v0, v1  }
0x39: {  	v0 =	vmul.f32 $1.442695020e+00, v0;
	_ =	sdelay $0x1  }
0x3a: {  	(erf) = vpow2.f32 v0;
	_ =	sdelay $0x4  }
0x3b: {  	v0 =	vld [tilespmem:s25+$0xFFFFFFF0]  }
0x3c: {  	v1 =	vld [tilespmem:s25+$0x10]  }
0x3d: {  	v2 =	vld [tilespmem:s25+$0x0]  }
0x3e: {  	v3 =	vld [tilespmem:s25+$0xFFFFFFE0]  }
0x3f: {  	v4 =	vpop (erf)  }
0x40: {  	[tilespmem:s25+$0x20] =	vst v4;
	v4 =	vbroadcast v4, $0x0;
	_ =	sdelay $0x1  }
0x41: {  	v2 =	vmul.f32 v4, v2;
	v1 =	vmul.f32 v1, v4  }
.Ltmp0:
0x42: {  	v0 =	vmul.f32 v4, v0;
	v3 =	vmul.f32 v4, v3;
	(pc) =	sbr.rel @p1 .LBB2_3-.Ltmp0, $4  }
0x43: {  	[tilespmem:s25+$0x10] =	vst v1  }
0x44: {  	[tilespmem:s25+$0x0] =	vst v2  }
0x45: {  	s25 =	sadd.s32 $0x50, s25;
	[tilespmem:s26+$0xFFFFFFF0] =	vst v0  }
0x46: {  	s29 =	sshra.s32 s28, $0x2;
	s28 =	sadd.s32 $0x40, s28;
	v0 =	vld [tilespmem:s25+$0x20];
	[tilespmem:s26+$0xFFFFFFE0] =	vst v3;
	s26 =	smov.u32 s25  }
0x47: {  	v1 =	vld [tilespmem:s29+$0x8020];
	_ =	sdelay $0x4  }
0x48: {  	v0 =	vadd.f32 v1, v0;
	_ =	sdelay $0x1  }
0x49: {  	v1 =	vmul.f32 $2.000000030e-01, v0  }
0x4a: {  	vm0 =	vge.f32 v0, $0.0e+00  }
0x4b: {  	v0 =	vsel vm0, v0, v1  }
0x4c: {  	v0 =	vmul.f32 $1.442695020e+00, v0;
	_ =	sdelay $0x1  }
0x4d: {  	(erf) = vpow2.f32 v0;
	_ =	sdelay $0x6  }
0x4e: {  	v61 =	vld [tilespmem:s25+$0x10]  }
0x4f: {  	v62 =	vld [tilespmem:s25+$0x0]  }
0x50: {  	v2 =	vld [tilespmem:s25+$0xFFFFFFF0];
	v3 =	vpop (erf)  }
0x51: {  	v4 =	vld [tilespmem:s25+$0xFFFFFFE0];
	v5 =	vbroadcast v3, $0x0;
	_ =	sdelay $0x1  }
0x52: {  	v0 =	vmul.f32 v61, v5  }
0x53: {  	[tilespmem:s25+$0x20] =	vst v3;
	v1 =	vmul.f32 v5, v62  }
0x54: {  	v2 =	vmul.f32 v5, v2;
	[tilespmem:s25+$0x10] =	vst v0  }
0x55: {  	s24 =	sadd.s32 $0x1, s24;
	v63 =	vmul.f32 v5, v4;
	[tilespmem:s25+$0x0] =	vst v1  }
0x56: {  	p1 =	sne.s32 s24, $0x19;
	[tilespmem:s26+$0xFFFFFFF0] =	vst v2  }
.Ltmp1:
0x57: {  	[tilespmem:s26+$0xFFFFFFE0] =	vst v63;
	(pc) =	sbr.rel @p1 .LBB2_2-.Ltmp1, $4  }
0x58: {  	[spmem:s2] =	stream.indirect.scatter.add.f32 [tilespmem:s19], [sflag:$0x3], $0x50, s18, s18, $0xb8;
	[tilespmem:$0x15C70] =	vst v63  }
0x59: {  	_ =	swait.ge [sflag:s17], $0x7D00  }
0x5a: {  	[sflag:s17] =	ssyncset.done $0x0  }
0x5b: {  	[sflag:s17] =	ssyncadd.s32 $0xFFFF8300  }
0x5c: {  	[bflag:$0x0] =	sbarrier.arrive $0xFFFF;
	s24 =	simm.s32 @p0 $0x1FC3  }
0x5d: {  	[hbm:s12], [sflag:s24] =	dma.local @p0 [spmem:s14], $0xFA0  }
0x5e: {  	s24 =	simm.s32 @p0 $0x3  }
0x5f: {  	s3 =	sadd.s32 $0x1, s3;
	_ =	swait.ge @p0 [sflag:s24], $0xFA0  }
0x60: {  	p1 =	sne.s32 s3, s13;
	[sflag:s24] =	ssyncset.done @p0 $0x0  }
.Ltmp2:
0x61: {  	[sflag:s24] =	ssyncadd.s32 @p0 $0xFFFFF060;
	s24 =	simm.s32 @!p0 $0x3;
	(pc) =	sbr.rel @p1 .LBB2_1-.Ltmp2, $4  }
0x62: {  	[hbm:s11], [sflag:s15] =	dma.local @!p0 [spmem:s23], $0x1900  }
0x63: {  	_ =	swait.ge @!p0 [sflag:s24], $0x1900  }
0x64: {  	[sflag:s24] =	ssyncset.done @!p0 $0x0  }
0x65: {  	[sflag:s24] =	ssyncadd.s32 @!p0 $0xFFFFE700  }
0x66: {  	_ =	sfence.sel $0x180000  }
0x67: {  	[bflag:$0x0] =	sbarrier.arrive $0xFFFF  }
0x68: {  	p0 =	sne.s32 s1, $0x0;
	_ =	strace $0x9000004D  }
0x69: {  	s0 =	sadd.s32 @!p0 $0x100000, s0;
	[bflag:$0x2] =	sbarrier.arrive $0xFFFF  }
0x6a: {  	[sflag:s0] =	ssyncadd.tile.s32 @!p0 $0x1;
	_ =	shalt  }
.Lfunc_end2:
_tile_overlayer_lowered:
.L_overlay_start_2:
0x6b: {  	(tag) =	ssettag $0x2  }
0x6c: {  	s0 =	rddreg [dreg:$0x0];
	s2 =	stileid.u32  }
0x6d: {  	s1 =	rddreg [dreg:$0x1];
	p0 =	sne.s32 s2, $0x0  }
0x6e: {  	s3 =	rddreg [dreg:$0x2];
	[bflag:$0x3] =	sbarrier.arrive $0xFFFF;
	s2 =	simm.s32 @!p0 $0x1C03  }
0x6f: {  	[timem:s3], [sflag:s2] =	dma.local @!p0 [hbm:s0], s1  }
0x70: {  	s0 =	simm.s32 @!p0 $0x3  }
0x71: {  	_ =	swait.ge @!p0 [sflag:s0], s1  }
0x72: {  	s1 =	ssub.s32 @!p0 $0x0, s1;
	[sflag:s0] =	ssyncset.done @!p0 $0x0  }
0x73: {  	[sflag:s0] =	ssyncadd.s32 @!p0 s1  }
0x74: {  	[bflag:$0x3] =	sbarrier.arrive $0xFFFF  }
0x75: {  	_ =	shalt  }

// kernel: kernel.5.cloned.1.call-start
scs
__scs_entry_jumppad:
0x0: {  	(pc) =	sbr.rel $0x88, $3  }
0x1: {  	(tag) =	ssettag $0x0;
	lr =	simm.s32 $0x1  }
0x2: {  	[smem:$0x3F86] =	sst lr;
	_ =	strace $0xD0000000  }
0x3: {  	_ = 	snop  }
0x4: {  	_ = 	snop  }
0x5: {  	_ = 	snop  }
0x6: {  	_ = 	snop  }
0x7: {  	_ = 	snop  }
__scs_overlays_trampoline_lowered:
0x8: {  	[smem:$0x3F95] =	sst s0  }
0x9: {  	[smem:$0x3F96] =	sst s1  }
0xa: {  	[smem:$0x3F97] =	sst s2  }
0xb: {  	[smem:$0x3F98] =	sst s3  }
0xc: {  	[smem:$0x3F99] =	sst s4  }
0xd: {  	[smem:$0x3F9A] =	sst s5  }
0xe: {  	[smem:$0x3F9B] =	sst s6  }
0xf: {  	[smem:$0x3F9C] =	sst s7  }
0x10: {  	[smem:$0x3F9D] =	sst s8  }
0x11: {  	[smem:$0x3F9E] =	sst s9;
	s0 =	simm.s32 @!p0 $0x0  }
0x12: {  	s1 =	sld [smem:$0x3F84];
	s0 =	simm.s32 @p0 $0x1  }
0x13: {  	[smem:$0x3F9F] =	sst s0;
	s0 =	simm.s32 @!p1 $0x0  }
0x14: {  	s2 =	sld [smem:$0x3F83];
	s0 =	simm.s32 @p1 $0x1  }
0x15: {  	[smem:$0x3FA0] =	sst s0;
	s0 =	simm.s32 @!p2 $0x0  }
0x16: {  	s3 =	sld [smem:$0x3FDB];
	s0 =	simm.s32 @p2 $0x1  }
0x17: {  	s4 =	simm.s32 $0x1BF5;
	[smem:$0x3FA2] =	sst s0  }
0x18: {  	s0 =	sld [smem:$0x3F85];
	_ =	swait.ge [sflag:s4], $0x0  }
0x19: {  	s7 =	sld [smem:$0x3F86]  }
0x1a: {  	s8 =	sadd.s32 $0xFFFFE003, lr  }
0x1b: {  	s9 =	sadd.s32 $0xFFFFFEF7, lr;
	s5 =	simm.s32 $0xFFFFFFFF;
	p2 =	slt.u32 s8, $0xFFFFF086  }
0x1c: {  	p1 =	slt.u32 s9, $0xF7A;
	s5 =	simm.s32 @!p2 $0x0  }
0x1d: {  	s5 =	simm.s32 @p1 $0x1;
	p0 =	seq.s32 s7, s2  }
0x1e: {  	s7 =	smul.u32 @!p0 $0xF7A, s2;
	p2 =	seq.s32 @!p0 s5, $0x0  }
0x1f: {  	s9 =	smul.u32 $0xF7A, s1;
	s8 =	simm.s32 @!p0 $0x1BF5;
	p2 =	por !p2, p0  }
0x20: {  	[sflag:s8] =	ssyncset.s32 @!p0 $0xFFFFF086;
	s6 =	sadd.s32 @!p0 s3, s7;
	s7 =	simm.s32 @!p0 $0x108  }
0x21: {  	s3 =	sadd.s32 s3, s9;
	s6 =	sadd.s32 @!p0 $0x88, s6;
	s7 =	simm.s32 @p2 $0x1082  }
0x22: {  	[simem:s7], [sflag:s8] =	dma.local @!p0 [hbm:s6], $0xF7A  }
0x23: {  	s9 =	sor.u32 $0xD0000000, s2;
	s6 =	simm.s32 $0x108;
	_ =	swait.ge @!p0 [sflag:s8], $0x0  }
0x24: {  	s3 =	sadd.s32 $0x88, s3;
	s6 =	simm.s32 @!p1 $0x1082;
	[sflag:s4] =	ssyncset.s32 $0xFFFFF086  }
0x25: {  	[simem:s6], [sflag:s4] =	dma.local [hbm:s3], $0xF7A  }
0x26: {  	[smem:$0x3F86] =	sst s1;
	(tag) =	ssettag s2;
	_ =	strace s9  }
0x27: {  	s1 =	sld [smem:$0x3F96]  }
0x28: {  	s2 =	sld [smem:$0x3F97]  }
0x29: {  	s4 =	sld [smem:$0x3F99]  }
0x2a: {  	p0 =	seq.s32 s5, $0x0;
	s5 =	sld [smem:$0x3F9A]  }
0x2b: {  	s6 =	sld [smem:$0x3F9B]  }
0x2c: {  	s7 =	sld [smem:$0x3F9C]  }
0x2d: {  	s3 =	simm.s32 $0x108;
	s8 =	sld [smem:$0x3F9D]  }
0x2e: {  	s3 =	simm.s32 @!p0 $0x1082;
	s9 =	sld [smem:$0x3F9E]  }
0x2f: {  	lr =	sadd.s32 s0, s3;
	s0 =	sld [smem:$0x3F95]  }
0x30: {  	s3 =	sld [smem:$0x3F98]  }
0x31: {  	[smem:$0x3FA1] =	sst s10  }
0x32: {  	s10 =	sld [smem:$0x3F9F];
	_ =	sdelay $0x3  }
0x33: {  	p0 =	seq.s32 s10, $0x1;
	s10 =	sld [smem:$0x3FA1];
	_ =	sdelay $0x3  }
0x34: {  	[smem:$0x3FA1] =	sst s10  }
0x35: {  	s10 =	sld [smem:$0x3FA0];
	_ =	sdelay $0x3  }
0x36: {  	p1 =	seq.s32 s10, $0x1;
	s10 =	sld [smem:$0x3FA1];
	_ =	sdelay $0x3  }
0x37: {  	[smem:$0x3FA1] =	sst s10  }
0x38: {  	s10 =	sld [smem:$0x3FA2]  }
0x39: {  	_ = 	snop;
	(pc) =	sbr.ind lr, $3  }
0x3a: {  	_ = 	snop  }
0x3b: {  	_ = 	snop  }
0x3c: {  	p2 =	seq.s32 s10, $0x1;
	s10 =	sld [smem:$0x3FA1]  }
0x3d: {  	_ =	shalt  }
0x3e: {  	_ =	shalt  }
0x3f: {  	_ =	shalt  }
0x40: {  	_ =	shalt  }
0x41: {  	_ =	shalt  }
0x42: {  	_ =	shalt  }
0x43: {  	_ =	shalt  }
0x44: {  	_ =	shalt  }
0x45: {  	_ =	shalt  }
0x46: {  	_ =	shalt  }
0x47: {  	_ =	shalt  }
0x48: {  	_ =	shalt  }
0x49: {  	_ =	shalt  }
0x4a: {  	_ =	shalt  }
0x4b: {  	_ =	shalt  }
0x4c: {  	_ =	shalt  }
0x4d: {  	_ =	shalt  }
0x4e: {  	_ =	shalt  }
0x4f: {  	_ =	shalt  }
0x50: {  	_ =	shalt  }
0x51: {  	_ =	shalt  }
0x52: {  	_ =	shalt  }
0x53: {  	_ =	shalt  }
0x54: {  	_ =	shalt  }
0x55: {  	_ =	shalt  }
0x56: {  	_ =	shalt  }
0x57: {  	_ =	shalt  }
0x58: {  	_ =	shalt  }
0x59: {  	_ =	shalt  }
0x5a: {  	_ =	shalt  }
0x5b: {  	_ =	shalt  }
0x5c: {  	_ =	shalt  }
0x5d: {  	_ =	shalt  }
0x5e: {  	_ =	shalt  }
0x5f: {  	_ =	shalt  }
0x60: {  	_ =	shalt  }
0x61: {  	_ =	shalt  }
0x62: {  	_ =	shalt  }
0x63: {  	_ =	shalt  }
0x64: {  	_ =	shalt  }
0x65: {  	_ =	shalt  }
0x66: {  	_ =	shalt  }
0x67: {  	_ =	shalt  }
0x68: {  	_ =	shalt  }
0x69: {  	_ =	shalt  }
0x6a: {  	_ =	shalt  }
0x6b: {  	_ =	shalt  }
0x6c: {  	_ =	shalt  }
0x6d: {  	_ =	shalt  }
0x6e: {  	_ =	shalt  }
0x6f: {  	_ =	shalt  }
0x70: {  	_ =	shalt  }
0x71: {  	_ =	shalt  }
0x72: {  	_ =	shalt  }
0x73: {  	_ =	shalt  }
0x74: {  	_ =	shalt  }
0x75: {  	_ =	shalt  }
0x76: {  	_ =	shalt  }
0x77: {  	_ =	shalt  }
0x78: {  	_ =	shalt  }
0x79: {  	_ =	shalt  }
0x7a: {  	_ =	shalt  }
0x7b: {  	_ =	shalt  }
0x7c: {  	_ =	shalt  }
0x7d: {  	_ =	shalt  }
0x7e: {  	_ =	shalt  }
0x7f: {  	_ =	shalt  }
0x80: {  	_ =	shalt  }
0x81: {  	_ =	shalt  }
0x82: {  	_ =	shalt  }
0x83: {  	_ =	shalt  }
0x84: {  	_ =	shalt  }
0x85: {  	_ =	shalt  }
0x86: {  	_ =	shalt  }
0x87: {  	_ =	shalt  }
.Lfunc_end0:
.L_simem_size_0:
called_computation_lowered:
.L_overlay_start_0:
0x88: {  	s2 =	sld [smem:$0x3FD9]  }
0x89: {  	s3 =	sld [smem:$0x3FFE];
	_ =	sdelay $0x1  }
0x8a: {  	s1 =	srdreg.scid  }
0x8b: {  	s0 =	sand.u32 $0x1, s1  }
0x8c: {  	s16 =	sshll.u32 s0, $0xA;
	s2 =	sadd.s32 s3, s2  }
0x8d: {  	s2 =	sadd.s32 s2, s16  }
0x8e: {  	[smem:$0x3FAD] =	sst s2  }
0x8f: {  	_ = 	snop  }
0x90: {  	(tm) =	ssettm $0x1  }
0x91: {  	s17 =	sld [smem:$0x3FFB];
	_ =	sdelay $0x3  }
0x92: {  	_ =	strace s17  }
0x93: {  	s2 =	sld [smem:$0x3FFC];
	_ =	sdelay $0x3  }
0x94: {  	_ =	strace s2  }
0x95: {  	s2 =	sld [smem:$0x3FFD];
	_ =	sdelay $0x3  }
0x96: {  	_ =	strace s2  }
0x97: {  	_ =	strace $0x8FFFFFFF  }
0x98: {  	s18 =	sld [smem:$0x3FDB];
	_ =	sdelay $0x1  }
0x99: {  	s19 =	simm.s32 $_scs_section_size  }
0x9a: {  	s4 =	simm.s32 $_size__tile_overlayer_lowered;
	s5 =	simm.s32 $_tile_overlayer_lowered  }
0x9b: {  	s22 =	simm.s32 $0x1BFF;
	s21 =	sshll.u32 s5, $0x1;
	s2 =	sadd.s32 s19, s18  }
0x9c: {  	s6 =	simm.s32 $0x0;
	s20 =	sshll.u32 s4, $0x1;
	s4 =	sadd.s32 s21, s2  }
0x9d: {  	[timem:s6], [sflag:s22] =	dma.local [hbm:s4], s20  }
0x9e: {  	_ =	swait.ge [sflag:s22], s20  }
0x9f: {  	s3 =	ssub.s32 $0x0, s20;
	[sflag:s22] =	ssyncset.done $0x0  }
0xa0: {  	[sflag:s22] =	ssyncadd.s32 s3;
	_ =	sdelay $0x1  }
0xa1: {  	s23 =	simm.s32 $0x1B8B  }
0xa2: {  	_ =	swait.ge [sflag:s23], $0x1  }
0xa3: {  	[sflag:s23] =	ssyncset.done $0x0  }
0xa4: {  	s25 =	simm.s32 $0x1B8E;
	s24 =	sld [smem:$0x3FFE];
	[sflag:s23] =	ssyncadd.s32 $0xFFFFFFFF  }
0xa5: {  	s26 =	simm.s32 $execute0_lowered;
	[smem:$0x3FD2] =	sst s25  }
0xa6: {  	s4 =	sshll.u32 s26, $0x1;
	_ =	strace $0x80000046;
	[dreg:$0x1] =	wrdreg $0xFFFFFFFF  }
0xa7: {  	s28 =	simm.s32 $_size_execute0_lowered;
	s2 =	sadd.s32 s2, s4;
	[dreg:$0x0] =	wrdreg $0x0  }
0xa8: {  	s4 =	sshll.u32 s28, $0x1;
	[dreg:$0x2] =	wrdreg s2  }
0xa9: {  	[dreg:$0x3] =	wrdreg s4  }
0xaa: {  	[dreg:$0x4] =	wrdreg $0xC0  }
0xab: {  	_ =	task [dreg:s6], $0x5FFFF  }
0xac: {  	[dreg:$0x1] =	wrdreg $0xFFFFFFFF  }
0xad: {  	[dreg:$0x0] =	wrdreg $0x60  }
0xae: {  	[dreg:$0x2] =	wrdreg s24  }
0xaf: {  	[dreg:$0x3] =	wrdreg $0x65400  }
0xb0: {  	[dreg:$0x4] =	wrdreg $0x9  }
0xb1: {  	_ =	task.clear_ibuf [dreg:s6], $0x5FFFF;
	_ =	strace $0x90000046  }
0xb2: {  	s29 =	simm.s32 $0x9;
	_ =	strace $0x80000048  }
0xb3: {  	_ =	swait.ge [sflag:s29], $0x1  }
0xb4: {  	[sflag:s29] =	ssyncadd.s32 $0xFFFFFFFF  }
0xb5: {  	_ =	strace $0x90000048  }
0xb6: {  	_ =	sfence  }
0xb7: {  	s30 =	sld [smem:$0x0];
	_ =	sdelay $0x2  }
0xb8: {  	s31 =	sshll.u32 s1, $0xD;
	s1 =	sshrl.u32 s1, $0x2  }
0xb9: {  	s3 =	sand.u32 $0x4000, s31;
	s1 =	sadd.s32 s1, s30  }
0xba: {  	s0 =	sor.u32 s3, s0;
	s1 =	sshll.u32 s1, $0x11  }
0xbb: {  	s0 =	sor.u32 s1, s0  }
0xbc: {  	s0 =	sadd.s32 $0x8F2B, s0  }
0xbd: {  	[sflag:s0] =	ssyncadd.remote.s32 $0x1  }
0xbe: {  	_ =	sfence.sel $0xFFFF  }
0xbf: {  	[dreg:$0x0] =	wrdreg $0xFFFFFFFF;
	(pc) =	sbr.abs _section_cstart, $3  }
0xc0: {  	[dreg:$0x1] =	wrdreg $0xFFFFFFFF  }
0xc1: {  	_ =	task.clear_ibuf [dreg:s6], $0x2FFFF;
	_ =	strace $0x9FFFFFFF  }
0xc2: {  	(tm) =	ssettm $0x7FFFFFFF  }
0xc3: {  	_ =	shalt  }
tec
execute0_lowered:
.L_overlay_start_1:
0x0: {  	(tag) =	ssettag $0x1  }
0x1: {  	s9 =	rddreg [dreg:$0x0]  }
0x2: {  	s1 =	rddreg [dreg:$0x1]  }
0x3: {  	s0 =	rddreg [dreg:$0x2]  }
0x4: {  	s2 =	simm.s32 $0x0;
	s3 =	stileid.u32;
	s7 =	srdreg.scid  }
0x5: {  	s22 =	simm.s32 $0x2;
	[smem:$0x7FF] =	sst s2;
	s13 =	sadd.s32 $0x30600, s9  }
0x6: {  	s4 =	sadd.s32 $0x4600, s9;
	s14 =	sadd.s32 $0x61600, s9;
	s8 =	smul.u32 $0x16800, s3  }
0x7: {  	s5 =	sadd.s32 $0x5C600, s9;
	s6 =	sadd.s32 $0x70400, s9;
	s16 =	smul.u32 $0x2D00, s3  }
0x8: {  	s11 =	sand.u32 $0x1, s7;
	s7 =	sadd.s32 $0x66600, s9;
	s21 =	smul.u32 $0x5A000, s3  }
0x9: {  	s17 =	sadd.s32 $0xA6200, s9;
	s20 =	sadd.s32 $0x151800, s1;
	s29 =	smul.u32 $0x2BF20, s11  }
0xa: {  	_ =	strace $0x80000047;
	s12 =	ssub.s32 $0x2, s11;
	s19 =	smul.u32 $0x15F900, s11  }
0xb: {  	p0 =	seq.s32 s11, $0x0;
	s10 =	sshrl.u32 s8, $0x3;
	s15 =	sshrl.u32 s12, $0x1  }
0xc: {  	s18 =	sadd.s32 s8, s1;
	s31 =	sshrl.u32 s21, $0x2;
	s4 =	smov.u32 @p0 s13  }
0xd: {  	s5 =	smov.u32 @p0 s14;
	p0 =	seq.s32 s3, $0xF;
	s21 =	simm.s32 $0x5B40  }
0xe: {  	s10 =	sadd.s32 s10, s9;
	s15 =	ssub.s32 s12, s15;
	s9 =	sadd.s32 $0xA4500, s9  }
0xf: {  	s30 =	sshrl.u32 s19, $0x3;
	s12 =	sadd.s32 s16, s29;
	s23 =	sadd.s32 s31, s1  }
0x10: {  	s14 =	sshrl.u32 @p0 s20, $0x3;
	s16 =	sshrl.u32 @!p0 s18, $0x3;
	s18 =	simm.s32 $0xA0  }
0x11: {  	s20 =	simm.s32 $0x1;
	s8 =	sadd.s32 $0x7A200, s10;
	s10 =	smul.u32 $0x4E20, s3  }
0x12: {  	s19 =	sadd.s32 s17, s30;
	s11 =	sadd.s32 s17, s12;
	s13 =	smax.u32 s15, $0x1  }
0x13: {  	s15 =	sshll.u32 @!p0 s3, $0x6;
	s17 =	simm.s32 $0x3;
	s23 =	sshrl.u32 @!p0 s23, $0x3  }
0x14: {  	s12 =	sadd.s32 $0x2A300, s19;
	s15 =	sor.u32 @!p0 $0x1C03, s15;
	s19 =	simm.s32 $0x140  }
.LBB2_1:
0x15: {  	s24 =	simm.s32 @p0 $0x1FC3  }
0x16: {  	[spmem:s14], [sflag:s24] =	dma.local @p0 [hbm:s9], $0x1C20  }
0x17: {  	s24 =	simm.s32 @p0 $0x3  }
0x18: {  	_ =	swait.ge @p0 [sflag:s24], $0x1C20  }
0x19: {  	[sflag:s24] =	ssyncset.done @p0 $0x0  }
0x1a: {  	[sflag:s24] =	ssyncadd.s32 @p0 $0xFFFFE3E0;
	s24 =	simm.s32 @!p0 $0x3  }
0x1b: {  	[spmem:s16], [sflag:s15] =	dma.local @!p0 [hbm:s8], $0x2D00  }
0x1c: {  	_ =	swait.ge @!p0 [sflag:s24], $0x2D00  }
0x1d: {  	[sflag:s24] =	ssyncset.done @!p0 $0x0  }
0x1e: {  	[sflag:s24] =	ssyncadd.s32 @!p0 $0xFFFFD300  }
0x1f: {  	s24 =	simm.s32 $0x0;
	[bflag:$0x0] =	sbarrier.arrive $0xFFFF  }
.LBB2_2:
0x20: {  	s25 =	smul.u32 $0xA0, s24;
	_ =	sdelay $0x1  }
0x21: {  	s25 =	sadd.s32 s10, s25  }
0x22: {  	s25 =	sshrl.u32 s25, $0x3  }
0x23: {  	s28 =	simm.s32 $0x0;
	s26 =	sadd.s32 s6, s25  }
0x24: {  	[tilespmem:s28], [sflag:$0x3] =	stream.linear.gather [hbm4b:s26+s28], $0xA0, $0x38;
	[tilespmem:$0x1C4D0] =	vst v63  }
0x25: {  	_ =	swait.ge [sflag:s17], $0xA0  }
0x26: {  	[sflag:s17] =	ssyncset.done $0x0  }
0x27: {  	s25 =	sadd.s32 s7, s25;
	[sflag:s17] =	ssyncadd.s32 $0xFFFFFF60  }
0x28: {  	[tilespmem:s18], [sflag:$0x3] =	stream.linear.gather [hbm4b:s25+s28], $0xA0, $0x38;
	[tilespmem:$0x1C4D0] =	vst v63  }
0x29: {  	_ =	swait.ge [sflag:s17], $0xA0  }
0x2a: {  	[sflag:s17] =	ssyncset.done $0x0  }
0x2b: {  	[sflag:s17] =	ssyncadd.s32 $0xFFFFFF60  }
0x2c: {  	[tilespmem:s19], [sflag:$0x1] =	stream.indirect.gather [hbm4b:s4+s18], $0x90, s28, s18, $0xb8;
	[tilespmem:$0x1C4D0] =	vst v63  }
0x2d: {  	_ =	swait.ge [sflag:s20], $0x5A00  }
0x2e: {  	[sflag:s20] =	ssyncset.done $0x0  }
0x2f: {  	[sflag:s20] =	ssyncadd.s32 $0xFFFFA600  }
0x30: {  	[tilespmem:s21], [sflag:$0x2] =	stream.indirect.gather [hbm4b:s5+s18], $0x10, s18, s18, $0xb8;
	[tilespmem:$0x1C4D0] =	vst v63  }
0x31: {  	_ =	swait.ge [sflag:s22], $0xA00  }
0x32: {  	[sflag:s22] =	ssyncset.done $0x0  }
0x33: {  	s25 =	simm.s32 $0x180;
	[sflag:s22] =	ssyncadd.s32 $0xFFFFF600  }
0x34: {  	s29 =	simm.s32 $0x0;
	s26 =	simm.s32 $0x180;
	s28 =	simm.s32 $0x40;
	v0 =	vld [tilespmem:s25+$0x40]  }
.LBB2_3:
0x35: {  	p1 =	sne.s32 s28, $0x27C0;
	v1 =	vld [tilespmem:s29+$0x5B40];
	_ =	sdelay $0x4  }
0x36: {  	v0 =	vadd.f32 v1, v0;
	_ =	sdelay $0x1  }
0x37: {  	v1 =	vmul.f32 $2.000000030e-01, v0  }
0x38: {  	vm0 =	vge.f32 v0, $0.0e+00  }
0x39: {  	v0 =	vsel vm0, v0, v1  }
0x3a: {  	v0 =	vmul.f32 $1.442695020e+00, v0;
	_ =	sdelay $0x1  }
0x3b: {  	(erf) = vpow2.f32 v0;
	_ =	sdelay $0x2  }
0x3c: {  	v0 =	vld [tilespmem:s25+$0xFFFFFFF0]  }
0x3d: {  	v1 =	vld [tilespmem:s25+$0x30]  }
0x3e: {  	v2 =	vld [tilespmem:s25+$0x20]  }
0x3f: {  	v3 =	vld [tilespmem:s25+$0x10]  }
0x40: {  	v4 =	vld [tilespmem:s25+$0x0]  }
0x41: {  	v5 =	vld [tilespmem:s25+$0xFFFFFFE0]  }
0x42: {  	v6 =	vld [tilespmem:s25+$0xFFFFFFD0];
	v7 =	vpop (erf)  }
0x43: {  	[tilespmem:s25+$0x40] =	vst v7;
	v8 =	vld [tilespmem:s25+$0xFFFFFFC0];
	v9 =	vbroadcast v7, $0x0;
	v7 =	vbroadcast v7, $0x1;
	_ =	sdelay $0x1  }
0x44: {  	v2 =	vmul.f32 v2, v7;
	v1 =	vmul.f32 v1, v7  }
0x45: {  	v4 =	vmul.f32 v4, v7;
	v3 =	vmul.f32 v3, v7  }
0x46: {  	v0 =	vmul.f32 v0, v9;
	v5 =	vmul.f32 v9, v5;
	[tilespmem:s25+$0x30] =	vst v1  }
0x47: {  	v6 =	vmul.f32 v9, v6;
	v1 =	vmul.f32 v9, v8;
	[tilespmem:s25+$0x20] =	vst v2  }
0x48: {  	[tilespmem:s25+$0x10] =	vst v3  }
.Ltmp0:
0x49: {  	[tilespmem:s25+$0x0] =	vst v4;
	(pc) =	sbr.rel @p1 .LBB2_3-.Ltmp0, $4  }
0x4a: {  	[tilespmem:s25+$0xFFFFFFF0] =	vst v0  }
0x4b: {  	[tilespmem:s25+$0xFFFFFFE0] =	vst v5  }
0x4c: {  	s25 =	sadd.s32 $0x90, s25;
	[tilespmem:s26+$0xFFFFFFD0] =	vst v6  }
0x4d: {  	s29 =	sshra.s32 s28, $0x2;
	s28 =	sadd.s32 $0x40, s28;
	v0 =	vld [tilespmem:s25+$0x40];
	[tilespmem:s26+$0xFFFFFFC0] =	vst v1;
	s26 =	smov.u32 s25  }
0x4e: {  	v1 =	vld [tilespmem:s29+$0x5B40];
	_ =	sdelay $0x4  }
0x4f: {  	v0 =	vadd.f32 v1, v0;
	_ =	sdelay $0x1  }
0x50: {  	v1 =	vmul.f32 $2.000000030e-01, v0  }
0x51: {  	vm0 =	vge.f32 v0, $0.0e+00  }
0x52: {  	v0 =	vsel vm0, v0, v1  }
0x53: {  	v0 =	vmul.f32 $1.442695020e+00, v0;
	_ =	sdelay $0x1  }
0x54: {  	(erf) = vpow2.f32 v0;
	_ =	sdelay $0x6  }
0x55: {  	v57 =	vld [tilespmem:s25+$0x30]  }
0x56: {  	v58 =	vld [tilespmem:s25+$0x20]  }
0x57: {  	v2 =	vld [tilespmem:s25+$0x10];
	v3 =	vpop (erf)  }
0x58: {  	v4 =	vld [tilespmem:s25+$0x0];
	v5 =	vbroadcast v3, $0x1  }
0x59: {  	v6 =	vld [tilespmem:s25+$0xFFFFFFF0]  }
0x5a: {  	v7 =	vld [tilespmem:s25+$0xFFFFFFE0];
	v0 =	vmul.f32 v57, v5  }
0x5b: {  	v8 =	vld [tilespmem:s25+$0xFFFFFFD0];
	[tilespmem:s25+$0x40] =	vst v3;
	v1 =	vmul.f32 v58, v5  }
0x5c: {  	v9 =	vld [tilespmem:s25+$0xFFFFFFC0];
	v3 =	vbroadcast v3, $0x0;
	v2 =	vmul.f32 v2, v5;
	[tilespmem:s25+$0x30] =	vst v0  }
0x5d: {  	v59 =	vmul.f32 v4, v5;
	[tilespmem:s25+$0x20] =	vst v1  }
0x5e: {  	v60 =	vmul.f32 v6, v3;
	[tilespmem:s25+$0x10] =	vst v2  }
0x5f: {  	v61 =	vmul.f32 v3, v7;
	[tilespmem:s25+$0x0] =	vst v59  }
0x60: {  	v62 =	vmul.f32 v3, v8;
	[tilespmem:s25+$0xFFFFFFF0] =	vst v60  }
0x61: {  	s24 =	sadd.s32 $0x1, s24;
	v63 =	vmul.f32 v3, v9;
	[tilespmem:s25+$0xFFFFFFE0] =	vst v61  }
0x62: {  	p1 =	sne.s32 s24, $0x7D;
	[tilespmem:s26+$0xFFFFFFD0] =	vst v62  }
.Ltmp1:
0x63: {  	[tilespmem:s26+$0xFFFFFFC0] =	vst v63;
	(pc) =	sbr.rel @p1 .LBB2_2-.Ltmp1, $4  }
0x64: {  	[spmem:s1] =	stream.indirect.scatter.add.f32 [tilespmem:s19], [sflag:$0x3], $0x90, s18, s18, $0xb8;
	[tilespmem:$0x1C4D0] =	vst v63  }
0x65: {  	_ =	swait.ge [sflag:s17], $0x5A00  }
0x66: {  	[sflag:s17] =	ssyncset.done $0x0  }
0x67: {  	[sflag:s17] =	ssyncadd.s32 $0xFFFFA600  }
0x68: {  	[bflag:$0x0] =	sbarrier.arrive $0xFFFF;
	s24 =	simm.s32 @p0 $0x1FC3  }
0x69: {  	[hbm:s12], [sflag:s24] =	dma.local @p0 [spmem:s14], $0x1C20  }
0x6a: {  	s24 =	simm.s32 @p0 $0x3  }
0x6b: {  	s2 =	sadd.s32 $0x1, s2;
	_ =	swait.ge @p0 [sflag:s24], $0x1C20  }
0x6c: {  	p1 =	sne.s32 s2, s13;
	[sflag:s24] =	ssyncset.done @p0 $0x0  }
.Ltmp2:
0x6d: {  	[sflag:s24] =	ssyncadd.s32 @p0 $0xFFFFE3E0;
	s24 =	simm.s32 @!p0 $0x3;
	(pc) =	sbr.rel @p1 .LBB2_1-.Ltmp2, $4  }
0x6e: {  	[hbm:s11], [sflag:s15] =	dma.local @!p0 [spmem:s23], $0x2D00  }
0x6f: {  	_ =	swait.ge @!p0 [sflag:s24], $0x2D00  }
0x70: {  	[sflag:s24] =	ssyncset.done @!p0 $0x0  }
0x71: {  	[sflag:s24] =	ssyncadd.s32 @!p0 $0xFFFFD300  }
0x72: {  	_ =	sfence.sel $0x180000  }
0x73: {  	[bflag:$0x0] =	sbarrier.arrive $0xFFFF  }
0x74: {  	p0 =	sne.s32 s3, $0x0;
	_ =	strace $0x90000047  }
0x75: {  	s0 =	sadd.s32 @!p0 $0x100000, s0;
	[bflag:$0x2] =	sbarrier.arrive $0xFFFF  }
0x76: {  	[sflag:s0] =	ssyncadd.tile.s32 @!p0 $0x1;
	_ =	shalt  }
.Lfunc_end2:
_tile_overlayer_lowered:
.L_overlay_start_2:
0x77: {  	(tag) =	ssettag $0x2  }
0x78: {  	s0 =	rddreg [dreg:$0x0];
	s2 =	stileid.u32  }
0x79: {  	s1 =	rddreg [dreg:$0x1];
	p0 =	sne.s32 s2, $0x0  }
0x7a: {  	s3 =	rddreg [dreg:$0x2];
	[bflag:$0x3] =	sbarrier.arrive $0xFFFF;
	s2 =	simm.s32 @!p0 $0x1C03  }
0x7b: {  	[timem:s3], [sflag:s2] =	dma.local @!p0 [hbm:s0], s1  }
0x7c: {  	s0 =	simm.s32 @!p0 $0x3  }
0x7d: {  	_ =	swait.ge @!p0 [sflag:s0], s1  }
0x7e: {  	s1 =	ssub.s32 @!p0 $0x0, s1;
	[sflag:s0] =	ssyncset.done @!p0 $0x0  }
0x7f: {  	[sflag:s0] =	ssyncadd.s32 @!p0 s1  }
0x80: {  	[bflag:$0x3] =	sbarrier.arrive $0xFFFF  }
0x81: {  	_ =	shalt  }

// kernel: kernel.8.cloned.1.call-start
scs
__scs_entry_jumppad:
0x0: {  	(pc) =	sbr.rel $0x88, $3  }
0x1: {  	(tag) =	ssettag $0x0;
	lr =	simm.s32 $0x1  }
0x2: {  	[smem:$0x3F86] =	sst lr;
	_ =	strace $0xD0000000  }
0x3: {  	_ = 	snop  }
0x4: {  	_ = 	snop  }
0x5: {  	_ = 	snop  }
0x6: {  	_ = 	snop  }
0x7: {  	_ = 	snop  }
__scs_overlays_trampoline_lowered:
0x8: {  	[smem:$0x3F95] =	sst s0  }
0x9: {  	[smem:$0x3F96] =	sst s1  }
0xa: {  	[smem:$0x3F97] =	sst s2  }
0xb: {  	[smem:$0x3F98] =	sst s3  }
0xc: {  	[smem:$0x3F99] =	sst s4  }
0xd: {  	[smem:$0x3F9A] =	sst s5  }
0xe: {  	[smem:$0x3F9B] =	sst s6  }
0xf: {  	[smem:$0x3F9C] =	sst s7  }
0x10: {  	[smem:$0x3F9D] =	sst s8  }
0x11: {  	[smem:$0x3F9E] =	sst s9;
	s0 =	simm.s32 @!p0 $0x0  }
0x12: {  	s1 =	sld [smem:$0x3F84];
	s0 =	simm.s32 @p0 $0x1  }
0x13: {  	[smem:$0x3F9F] =	sst s0;
	s0 =	simm.s32 @!p1 $0x0  }
0x14: {  	s2 =	sld [smem:$0x3F83];
	s0 =	simm.s32 @p1 $0x1  }
0x15: {  	[smem:$0x3FA0] =	sst s0;
	s0 =	simm.s32 @!p2 $0x0  }
0x16: {  	s3 =	sld [smem:$0x3FDB];
	s0 =	simm.s32 @p2 $0x1  }
0x17: {  	s4 =	simm.s32 $0x1BF5;
	[smem:$0x3FA2] =	sst s0  }
0x18: {  	s0 =	sld [smem:$0x3F85];
	_ =	swait.ge [sflag:s4], $0x0  }
0x19: {  	s7 =	sld [smem:$0x3F86]  }
0x1a: {  	s8 =	sadd.s32 $0xFFFFE003, lr  }
0x1b: {  	s9 =	sadd.s32 $0xFFFFFEF7, lr;
	s5 =	simm.s32 $0xFFFFFFFF;
	p2 =	slt.u32 s8, $0xFFFFF086  }
0x1c: {  	p1 =	slt.u32 s9, $0xF7A;
	s5 =	simm.s32 @!p2 $0x0  }
0x1d: {  	s5 =	simm.s32 @p1 $0x1;
	p0 =	seq.s32 s7, s2  }
0x1e: {  	s7 =	smul.u32 @!p0 $0xF7A, s2;
	p2 =	seq.s32 @!p0 s5, $0x0  }
0x1f: {  	s9 =	smul.u32 $0xF7A, s1;
	s8 =	simm.s32 @!p0 $0x1BF5;
	p2 =	por !p2, p0  }
0x20: {  	[sflag:s8] =	ssyncset.s32 @!p0 $0xFFFFF086;
	s6 =	sadd.s32 @!p0 s3, s7;
	s7 =	simm.s32 @!p0 $0x108  }
0x21: {  	s3 =	sadd.s32 s3, s9;
	s6 =	sadd.s32 @!p0 $0x88, s6;
	s7 =	simm.s32 @p2 $0x1082  }
0x22: {  	[simem:s7], [sflag:s8] =	dma.local @!p0 [hbm:s6], $0xF7A  }
0x23: {  	s9 =	sor.u32 $0xD0000000, s2;
	s6 =	simm.s32 $0x108;
	_ =	swait.ge @!p0 [sflag:s8], $0x0  }
0x24: {  	s3 =	sadd.s32 $0x88, s3;
	s6 =	simm.s32 @!p1 $0x1082;
	[sflag:s4] =	ssyncset.s32 $0xFFFFF086  }
0x25: {  	[simem:s6], [sflag:s4] =	dma.local [hbm:s3], $0xF7A  }
0x26: {  	[smem:$0x3F86] =	sst s1;
	(tag) =	ssettag s2;
	_ =	strace s9  }
0x27: {  	s1 =	sld [smem:$0x3F96]  }
0x28: {  	s2 =	sld [smem:$0x3F97]  }
0x29: {  	s4 =	sld [smem:$0x3F99]  }
0x2a: {  	p0 =	seq.s32 s5, $0x0;
	s5 =	sld [smem:$0x3F9A]  }
0x2b: {  	s6 =	sld [smem:$0x3F9B]  }
0x2c: {  	s7 =	sld [smem:$0x3F9C]  }
0x2d: {  	s3 =	simm.s32 $0x108;
	s8 =	sld [smem:$0x3F9D]  }
0x2e: {  	s3 =	simm.s32 @!p0 $0x1082;
	s9 =	sld [smem:$0x3F9E]  }
0x2f: {  	lr =	sadd.s32 s0, s3;
	s0 =	sld [smem:$0x3F95]  }
0x30: {  	s3 =	sld [smem:$0x3F98]  }
0x31: {  	[smem:$0x3FA1] =	sst s10  }
0x32: {  	s10 =	sld [smem:$0x3F9F];
	_ =	sdelay $0x3  }
0x33: {  	p0 =	seq.s32 s10, $0x1;
	s10 =	sld [smem:$0x3FA1];
	_ =	sdelay $0x3  }
0x34: {  	[smem:$0x3FA1] =	sst s10  }
0x35: {  	s10 =	sld [smem:$0x3FA0];
	_ =	sdelay $0x3  }
0x36: {  	p1 =	seq.s32 s10, $0x1;
	s10 =	sld [smem:$0x3FA1];
	_ =	sdelay $0x3  }
0x37: {  	[smem:$0x3FA1] =	sst s10  }
0x38: {  	s10 =	sld [smem:$0x3FA2]  }
0x39: {  	_ = 	snop;
	(pc) =	sbr.ind lr, $3  }
0x3a: {  	_ = 	snop  }
0x3b: {  	_ = 	snop  }
0x3c: {  	p2 =	seq.s32 s10, $0x1;
	s10 =	sld [smem:$0x3FA1]  }
0x3d: {  	_ =	shalt  }
0x3e: {  	_ =	shalt  }
0x3f: {  	_ =	shalt  }
0x40: {  	_ =	shalt  }
0x41: {  	_ =	shalt  }
0x42: {  	_ =	shalt  }
0x43: {  	_ =	shalt  }
0x44: {  	_ =	shalt  }
0x45: {  	_ =	shalt  }
0x46: {  	_ =	shalt  }
0x47: {  	_ =	shalt  }
0x48: {  	_ =	shalt  }
0x49: {  	_ =	shalt  }
0x4a: {  	_ =	shalt  }
0x4b: {  	_ =	shalt  }
0x4c: {  	_ =	shalt  }
0x4d: {  	_ =	shalt  }
0x4e: {  	_ =	shalt  }
0x4f: {  	_ =	shalt  }
0x50: {  	_ =	shalt  }
0x51: {  	_ =	shalt  }
0x52: {  	_ =	shalt  }
0x53: {  	_ =	shalt  }
0x54: {  	_ =	shalt  }
0x55: {  	_ =	shalt  }
0x56: {  	_ =	shalt  }
0x57: {  	_ =	shalt  }
0x58: {  	_ =	shalt  }
0x59: {  	_ =	shalt  }
0x5a: {  	_ =	shalt  }
0x5b: {  	_ =	shalt  }
0x5c: {  	_ =	shalt  }
0x5d: {  	_ =	shalt  }
0x5e: {  	_ =	shalt  }
0x5f: {  	_ =	shalt  }
0x60: {  	_ =	shalt  }
0x61: {  	_ =	shalt  }
0x62: {  	_ =	shalt  }
0x63: {  	_ =	shalt  }
0x64: {  	_ =	shalt  }
0x65: {  	_ =	shalt  }
0x66: {  	_ =	shalt  }
0x67: {  	_ =	shalt  }
0x68: {  	_ =	shalt  }
0x69: {  	_ =	shalt  }
0x6a: {  	_ =	shalt  }
0x6b: {  	_ =	shalt  }
0x6c: {  	_ =	shalt  }
0x6d: {  	_ =	shalt  }
0x6e: {  	_ =	shalt  }
0x6f: {  	_ =	shalt  }
0x70: {  	_ =	shalt  }
0x71: {  	_ =	shalt  }
0x72: {  	_ =	shalt  }
0x73: {  	_ =	shalt  }
0x74: {  	_ =	shalt  }
0x75: {  	_ =	shalt  }
0x76: {  	_ =	shalt  }
0x77: {  	_ =	shalt  }
0x78: {  	_ =	shalt  }
0x79: {  	_ =	shalt  }
0x7a: {  	_ =	shalt  }
0x7b: {  	_ =	shalt  }
0x7c: {  	_ =	shalt  }
0x7d: {  	_ =	shalt  }
0x7e: {  	_ =	shalt  }
0x7f: {  	_ =	shalt  }
0x80: {  	_ =	shalt  }
0x81: {  	_ =	shalt  }
0x82: {  	_ =	shalt  }
0x83: {  	_ =	shalt  }
0x84: {  	_ =	shalt  }
0x85: {  	_ =	shalt  }
0x86: {  	_ =	shalt  }
0x87: {  	_ =	shalt  }
.Lfunc_end0:
.L_simem_size_0:
called_computation.1_lowered:
.L_overlay_start_0:
0x88: {  	s2 =	sld [smem:$0x3FD9]  }
0x89: {  	s3 =	sld [smem:$0x3FFE];
	_ =	sdelay $0x1  }
0x8a: {  	s1 =	srdreg.scid  }
0x8b: {  	s0 =	sand.u32 $0x1, s1  }
0x8c: {  	s16 =	sshll.u32 s0, $0xA;
	s2 =	sadd.s32 s3, s2  }
0x8d: {  	s2 =	sadd.s32 s2, s16  }
0x8e: {  	[smem:$0x3FAD] =	sst s2  }
0x8f: {  	_ = 	snop  }
0x90: {  	(tm) =	ssettm $0x1  }
0x91: {  	s17 =	sld [smem:$0x3FFB];
	_ =	sdelay $0x3  }
0x92: {  	_ =	strace s17  }
0x93: {  	s2 =	sld [smem:$0x3FFC];
	_ =	sdelay $0x3  }
0x94: {  	_ =	strace s2  }
0x95: {  	s2 =	sld [smem:$0x3FFD];
	_ =	sdelay $0x3  }
0x96: {  	_ =	strace s2  }
0x97: {  	_ =	strace $0x8FFFFFFF  }
0x98: {  	s18 =	sld [smem:$0x3FDB];
	_ =	sdelay $0x1  }
0x99: {  	s19 =	simm.s32 $_scs_section_size  }
0x9a: {  	s4 =	simm.s32 $_size__tile_overlayer_lowered;
	s5 =	simm.s32 $_tile_overlayer_lowered  }
0x9b: {  	s22 =	simm.s32 $0x1BFF;
	s21 =	sshll.u32 s5, $0x1;
	s2 =	sadd.s32 s19, s18  }
0x9c: {  	s6 =	simm.s32 $0x0;
	s20 =	sshll.u32 s4, $0x1;
	s4 =	sadd.s32 s21, s2  }
0x9d: {  	[timem:s6], [sflag:s22] =	dma.local [hbm:s4], s20  }
0x9e: {  	_ =	swait.ge [sflag:s22], s20  }
0x9f: {  	s3 =	ssub.s32 $0x0, s20;
	[sflag:s22] =	ssyncset.done $0x0  }
0xa0: {  	[sflag:s22] =	ssyncadd.s32 s3;
	_ =	sdelay $0x1  }
0xa1: {  	s23 =	simm.s32 $0x1B8B  }
0xa2: {  	_ =	swait.ge [sflag:s23], $0x1  }
0xa3: {  	[sflag:s23] =	ssyncset.done $0x0  }
0xa4: {  	s25 =	simm.s32 $0x1B8E;
	s24 =	sld [smem:$0x3FFE];
	[sflag:s23] =	ssyncadd.s32 $0xFFFFFFFF  }
0xa5: {  	s26 =	simm.s32 $execute0_lowered;
	[smem:$0x3FD2] =	sst s25  }
0xa6: {  	s4 =	sshll.u32 s26, $0x1;
	_ =	strace $0x80000049;
	[dreg:$0x1] =	wrdreg $0xFFFFFFFF  }
0xa7: {  	s28 =	simm.s32 $_size_execute0_lowered;
	s2 =	sadd.s32 s2, s4;
	[dreg:$0x0] =	wrdreg $0x0  }
0xa8: {  	s4 =	sshll.u32 s28, $0x1;
	[dreg:$0x2] =	wrdreg s2  }
0xa9: {  	[dreg:$0x3] =	wrdreg s4  }
0xaa: {  	[dreg:$0x4] =	wrdreg $0xC0  }
0xab: {  	_ =	task [dreg:s6], $0x5FFFF  }
0xac: {  	[dreg:$0x1] =	wrdreg $0xFFFFFFFF  }
0xad: {  	[dreg:$0x0] =	wrdreg $0x60  }
0xae: {  	[dreg:$0x2] =	wrdreg s24  }
0xaf: {  	[dreg:$0x3] =	wrdreg $0x65400  }
0xb0: {  	[dreg:$0x4] =	wrdreg $0x9  }
0xb1: {  	_ =	task.clear_ibuf [dreg:s6], $0x5FFFF;
	_ =	strace $0x90000049  }
0xb2: {  	s29 =	simm.s32 $0x9;
	_ =	strace $0x8000004B  }
0xb3: {  	_ =	swait.ge [sflag:s29], $0x1  }
0xb4: {  	[sflag:s29] =	ssyncadd.s32 $0xFFFFFFFF  }
0xb5: {  	_ =	strace $0x9000004B  }
0xb6: {  	_ =	sfence  }
0xb7: {  	s30 =	sld [smem:$0x0];
	_ =	sdelay $0x2  }
0xb8: {  	s31 =	sshll.u32 s1, $0xD;
	s1 =	sshrl.u32 s1, $0x2  }
0xb9: {  	s3 =	sand.u32 $0x4000, s31;
	s1 =	sadd.s32 s1, s30  }
0xba: {  	s0 =	sor.u32 s3, s0;
	s1 =	sshll.u32 s1, $0x11  }
0xbb: {  	s0 =	sor.u32 s1, s0  }
0xbc: {  	s0 =	sadd.s32 $0x8F2B, s0  }
0xbd: {  	[sflag:s0] =	ssyncadd.remote.s32 $0x1  }
0xbe: {  	_ =	sfence.sel $0xFFFF  }
0xbf: {  	[dreg:$0x0] =	wrdreg $0xFFFFFFFF;
	(pc) =	sbr.abs _section_cstart, $3  }
0xc0: {  	[dreg:$0x1] =	wrdreg $0xFFFFFFFF  }
0xc1: {  	_ =	task.clear_ibuf [dreg:s6], $0x2FFFF;
	_ =	strace $0x9FFFFFFF  }
0xc2: {  	(tm) =	ssettm $0x7FFFFFFF  }
0xc3: {  	_ =	shalt  }
tec
execute0_lowered:
.L_overlay_start_1:
0x0: {  	(tag) =	ssettag $0x1  }
0x1: {  	s9 =	rddreg [dreg:$0x0]  }
0x2: {  	s1 =	rddreg [dreg:$0x1]  }
0x3: {  	s0 =	rddreg [dreg:$0x2]  }
0x4: {  	s2 =	simm.s32 $0x0;
	s3 =	stileid.u32;
	s7 =	srdreg.scid  }
0x5: {  	s22 =	simm.s32 $0x2;
	[smem:$0x7FF] =	sst s2;
	s13 =	sadd.s32 $0x4600, s9  }
0x6: {  	s4 =	sadd.s32 $0xA6200, s9;
	s14 =	sadd.s32 $0x35600, s9;
	s8 =	smul.u32 $0x16800, s3  }
0x7: {  	s5 =	sadd.s32 $0x30600, s9;
	s6 =	sadd.s32 $0x70400, s9;
	s16 =	smul.u32 $0x2D00, s3  }
0x8: {  	s11 =	sand.u32 $0x1, s7;
	s7 =	sadd.s32 $0x66600, s9;
	s21 =	smul.u32 $0x5A000, s3  }
0x9: {  	s17 =	sadd.s32 $0xD2200, s9;
	s20 =	sadd.s32 $0x151800, s1;
	s29 =	smul.u32 $0x2BF20, s11  }
0xa: {  	_ =	strace $0x8000004A;
	s12 =	ssub.s32 $0x2, s11;
	s19 =	smul.u32 $0x15F900, s11  }
0xb: {  	p0 =	seq.s32 s11, $0x0;
	s10 =	sshrl.u32 s8, $0x3;
	s15 =	sshrl.u32 s12, $0x1  }
0xc: {  	s18 =	sadd.s32 s8, s1;
	s31 =	sshrl.u32 s21, $0x2;
	s4 =	smov.u32 @p0 s13  }
0xd: {  	s5 =	smov.u32 @p0 s14;
	p0 =	seq.s32 s3, $0xF;
	s21 =	simm.s32 $0x5B40  }
0xe: {  	s10 =	sadd.s32 s10, s9;
	s15 =	ssub.s32 s12, s15;
	s9 =	sadd.s32 $0xA4500, s9  }
0xf: {  	s30 =	sshrl.u32 s19, $0x3;
	s12 =	sadd.s32 s16, s29;
	s23 =	sadd.s32 s31, s1  }
0x10: {  	s14 =	sshrl.u32 @p0 s20, $0x3;
	s16 =	sshrl.u32 @!p0 s18, $0x3;
	s18 =	simm.s32 $0xA0  }
0x11: {  	s20 =	simm.s32 $0x1;
	s8 =	sadd.s32 $0x7A200, s10;
	s10 =	smul.u32 $0x4E20, s3  }
0x12: {  	s19 =	sadd.s32 s17, s30;
	s11 =	sadd.s32 s17, s12;
	s13 =	smax.u32 s15, $0x1  }
0x13: {  	s15 =	sshll.u32 @!p0 s3, $0x6;
	s17 =	simm.s32 $0x3;
	s23 =	sshrl.u32 @!p0 s23, $0x3  }
0x14: {  	s12 =	sadd.s32 $0x2A300, s19;
	s15 =	sor.u32 @!p0 $0x1C03, s15;
	s19 =	simm.s32 $0x140  }
.LBB2_1:
0x15: {  	s24 =	simm.s32 @p0 $0x1FC3  }
0x16: {  	[spmem:s14], [sflag:s24] =	dma.local @p0 [hbm:s9], $0x1C20  }
0x17: {  	s24 =	simm.s32 @p0 $0x3  }
0x18: {  	_ =	swait.ge @p0 [sflag:s24], $0x1C20  }
0x19: {  	[sflag:s24] =	ssyncset.done @p0 $0x0  }
0x1a: {  	[sflag:s24] =	ssyncadd.s32 @p0 $0xFFFFE3E0;
	s24 =	simm.s32 @!p0 $0x3  }
0x1b: {  	[spmem:s16], [sflag:s15] =	dma.local @!p0 [hbm:s8], $0x2D00  }
0x1c: {  	_ =	swait.ge @!p0 [sflag:s24], $0x2D00  }
0x1d: {  	[sflag:s24] =	ssyncset.done @!p0 $0x0  }
0x1e: {  	[sflag:s24] =	ssyncadd.s32 @!p0 $0xFFFFD300  }
0x1f: {  	s24 =	simm.s32 $0x0;
	[bflag:$0x0] =	sbarrier.arrive $0xFFFF  }
.LBB2_2:
0x20: {  	s25 =	smul.u32 $0xA0, s24;
	_ =	sdelay $0x1  }
0x21: {  	s25 =	sadd.s32 s10, s25  }
0x22: {  	s25 =	sshrl.u32 s25, $0x3  }
0x23: {  	s28 =	simm.s32 $0x0;
	s26 =	sadd.s32 s6, s25  }
0x24: {  	[tilespmem:s28], [sflag:$0x3] =	stream.linear.gather [hbm4b:s26+s28], $0xA0, $0x38;
	[tilespmem:$0x1C4D0] =	vst v63  }
0x25: {  	_ =	swait.ge [sflag:s17], $0xA0  }
0x26: {  	[sflag:s17] =	ssyncset.done $0x0  }
0x27: {  	s25 =	sadd.s32 s7, s25;
	[sflag:s17] =	ssyncadd.s32 $0xFFFFFF60  }
0x28: {  	[tilespmem:s18], [sflag:$0x3] =	stream.linear.gather [hbm4b:s25+s28], $0xA0, $0x38;
	[tilespmem:$0x1C4D0] =	vst v63  }
0x29: {  	_ =	swait.ge [sflag:s17], $0xA0  }
0x2a: {  	[sflag:s17] =	ssyncset.done $0x0  }
0x2b: {  	[sflag:s17] =	ssyncadd.s32 $0xFFFFFF60  }
0x2c: {  	[tilespmem:s19], [sflag:$0x1] =	stream.indirect.gather [hbm4b:s4+s18], $0x90, s28, s18, $0xb8;
	[tilespmem:$0x1C4D0] =	vst v63  }
0x2d: {  	_ =	swait.ge [sflag:s20], $0x5A00  }
0x2e: {  	[sflag:s20] =	ssyncset.done $0x0  }
0x2f: {  	[sflag:s20] =	ssyncadd.s32 $0xFFFFA600  }
0x30: {  	[tilespmem:s21], [sflag:$0x2] =	stream.indirect.gather [hbm4b:s5+s18], $0x10, s18, s18, $0xb8;
	[tilespmem:$0x1C4D0] =	vst v63  }
0x31: {  	_ =	swait.ge [sflag:s22], $0xA00  }
0x32: {  	[sflag:s22] =	ssyncset.done $0x0  }
0x33: {  	s25 =	simm.s32 $0x180;
	[sflag:s22] =	ssyncadd.s32 $0xFFFFF600  }
0x34: {  	s29 =	simm.s32 $0x0;
	s26 =	simm.s32 $0x180;
	s28 =	simm.s32 $0x40;
	v0 =	vld [tilespmem:s25+$0x40]  }
.LBB2_3:
0x35: {  	p1 =	sne.s32 s28, $0x27C0;
	v1 =	vld [tilespmem:s29+$0x5B40];
	_ =	sdelay $0x4  }
0x36: {  	v0 =	vadd.f32 v1, v0;
	_ =	sdelay $0x1  }
0x37: {  	v1 =	vmul.f32 $2.000000030e-01, v0  }
0x38: {  	vm0 =	vge.f32 v0, $0.0e+00  }
0x39: {  	v0 =	vsel vm0, v0, v1  }
0x3a: {  	v0 =	vmul.f32 $1.442695020e+00, v0;
	_ =	sdelay $0x1  }
0x3b: {  	(erf) = vpow2.f32 v0;
	_ =	sdelay $0x2  }
0x3c: {  	v0 =	vld [tilespmem:s25+$0xFFFFFFF0]  }
0x3d: {  	v1 =	vld [tilespmem:s25+$0x30]  }
0x3e: {  	v2 =	vld [tilespmem:s25+$0x20]  }
0x3f: {  	v3 =	vld [tilespmem:s25+$0x10]  }
0x40: {  	v4 =	vld [tilespmem:s25+$0x0]  }
0x41: {  	v5 =	vld [tilespmem:s25+$0xFFFFFFE0]  }
0x42: {  	v6 =	vld [tilespmem:s25+$0xFFFFFFD0];
	v7 =	vpop (erf)  }
0x43: {  	[tilespmem:s25+$0x40] =	vst v7;
	v8 =	vld [tilespmem:s25+$0xFFFFFFC0];
	v9 =	vbroadcast v7, $0x0;
	v7 =	vbroadcast v7, $0x1;
	_ =	sdelay $0x1  }
0x44: {  	v2 =	vmul.f32 v2, v7;
	v1 =	vmul.f32 v1, v7  }
0x45: {  	v4 =	vmul.f32 v4, v7;
	v3 =	vmul.f32 v3, v7  }
0x46: {  	v0 =	vmul.f32 v0, v9;
	v5 =	vmul.f32 v9, v5;
	[tilespmem:s25+$0x30] =	vst v1  }
0x47: {  	v6 =	vmul.f32 v9, v6;
	v1 =	vmul.f32 v9, v8;
	[tilespmem:s25+$0x20] =	vst v2  }
0x48: {  	[tilespmem:s25+$0x10] =	vst v3  }
.Ltmp0:
0x49: {  	[tilespmem:s25+$0x0] =	vst v4;
	(pc) =	sbr.rel @p1 .LBB2_3-.Ltmp0, $4  }
0x4a: {  	[tilespmem:s25+$0xFFFFFFF0] =	vst v0  }
0x4b: {  	[tilespmem:s25+$0xFFFFFFE0] =	vst v5  }
0x4c: {  	s25 =	sadd.s32 $0x90, s25;
	[tilespmem:s26+$0xFFFFFFD0] =	vst v6  }
0x4d: {  	s29 =	sshra.s32 s28, $0x2;
	s28 =	sadd.s32 $0x40, s28;
	v0 =	vld [tilespmem:s25+$0x40];
	[tilespmem:s26+$0xFFFFFFC0] =	vst v1;
	s26 =	smov.u32 s25  }
0x4e: {  	v1 =	vld [tilespmem:s29+$0x5B40];
	_ =	sdelay $0x4  }
0x4f: {  	v0 =	vadd.f32 v1, v0;
	_ =	sdelay $0x1  }
0x50: {  	v1 =	vmul.f32 $2.000000030e-01, v0  }
0x51: {  	vm0 =	vge.f32 v0, $0.0e+00  }
0x52: {  	v0 =	vsel vm0, v0, v1  }
0x53: {  	v0 =	vmul.f32 $1.442695020e+00, v0;
	_ =	sdelay $0x1  }
0x54: {  	(erf) = vpow2.f32 v0;
	_ =	sdelay $0x6  }
0x55: {  	v57 =	vld [tilespmem:s25+$0x30]  }
0x56: {  	v58 =	vld [tilespmem:s25+$0x20]  }
0x57: {  	v2 =	vld [tilespmem:s25+$0x10];
	v3 =	vpop (erf)  }
0x58: {  	v4 =	vld [tilespmem:s25+$0x0];
	v5 =	vbroadcast v3, $0x1  }
0x59: {  	v6 =	vld [tilespmem:s25+$0xFFFFFFF0]  }
0x5a: {  	v7 =	vld [tilespmem:s25+$0xFFFFFFE0];
	v0 =	vmul.f32 v57, v5  }
0x5b: {  	v8 =	vld [tilespmem:s25+$0xFFFFFFD0];
	[tilespmem:s25+$0x40] =	vst v3;
	v1 =	vmul.f32 v58, v5  }
0x5c: {  	v9 =	vld [tilespmem:s25+$0xFFFFFFC0];
	v3 =	vbroadcast v3, $0x0;
	v2 =	vmul.f32 v2, v5;
	[tilespmem:s25+$0x30] =	vst v0  }
0x5d: {  	v59 =	vmul.f32 v4, v5;
	[tilespmem:s25+$0x20] =	vst v1  }
0x5e: {  	v60 =	vmul.f32 v6, v3;
	[tilespmem:s25+$0x10] =	vst v2  }
0x5f: {  	v61 =	vmul.f32 v3, v7;
	[tilespmem:s25+$0x0] =	vst v59  }
0x60: {  	v62 =	vmul.f32 v3, v8;
	[tilespmem:s25+$0xFFFFFFF0] =	vst v60  }
0x61: {  	s24 =	sadd.s32 $0x1, s24;
	v63 =	vmul.f32 v3, v9;
	[tilespmem:s25+$0xFFFFFFE0] =	vst v61  }
0x62: {  	p1 =	sne.s32 s24, $0x7D;
	[tilespmem:s26+$0xFFFFFFD0] =	vst v62  }
.Ltmp1:
0x63: {  	[tilespmem:s26+$0xFFFFFFC0] =	vst v63;
	(pc) =	sbr.rel @p1 .LBB2_2-.Ltmp1, $4  }
0x64: {  	[spmem:s1] =	stream.indirect.scatter.add.f32 [tilespmem:s19], [sflag:$0x3], $0x90, s18, s18, $0xb8;
	[tilespmem:$0x1C4D0] =	vst v63  }
0x65: {  	_ =	swait.ge [sflag:s17], $0x5A00  }
0x66: {  	[sflag:s17] =	ssyncset.done $0x0  }
0x67: {  	[sflag:s17] =	ssyncadd.s32 $0xFFFFA600  }
0x68: {  	[bflag:$0x0] =	sbarrier.arrive $0xFFFF;
	s24 =	simm.s32 @p0 $0x1FC3  }
0x69: {  	[hbm:s12], [sflag:s24] =	dma.local @p0 [spmem:s14], $0x1C20  }
0x6a: {  	s24 =	simm.s32 @p0 $0x3  }
0x6b: {  	s2 =	sadd.s32 $0x1, s2;
	_ =	swait.ge @p0 [sflag:s24], $0x1C20  }
0x6c: {  	p1 =	sne.s32 s2, s13;
	[sflag:s24] =	ssyncset.done @p0 $0x0  }
.Ltmp2:
0x6d: {  	[sflag:s24] =	ssyncadd.s32 @p0 $0xFFFFE3E0;
	s24 =	simm.s32 @!p0 $0x3;
	(pc) =	sbr.rel @p1 .LBB2_1-.Ltmp2, $4  }
0x6e: {  	[hbm:s11], [sflag:s15] =	dma.local @!p0 [spmem:s23], $0x2D00  }
0x6f: {  	_ =	swait.ge @!p0 [sflag:s24], $0x2D00  }
0x70: {  	[sflag:s24] =	ssyncset.done @!p0 $0x0  }
0x71: {  	[sflag:s24] =	ssyncadd.s32 @!p0 $0xFFFFD300  }
0x72: {  	_ =	sfence.sel $0x180000  }
0x73: {  	[bflag:$0x0] =	sbarrier.arrive $0xFFFF  }
0x74: {  	p0 =	sne.s32 s3, $0x0;
	_ =	strace $0x9000004A  }
0x75: {  	s0 =	sadd.s32 @!p0 $0x100000, s0;
	[bflag:$0x2] =	sbarrier.arrive $0xFFFF  }
0x76: {  	[sflag:s0] =	ssyncadd.tile.s32 @!p0 $0x1;
	_ =	shalt  }
.Lfunc_end2:
_tile_overlayer_lowered:
.L_overlay_start_2:
0x77: {  	(tag) =	ssettag $0x2  }
0x78: {  	s0 =	rddreg [dreg:$0x0];
	s2 =	stileid.u32  }
0x79: {  	s1 =	rddreg [dreg:$0x1];
	p0 =	sne.s32 s2, $0x0  }
0x7a: {  	s3 =	rddreg [dreg:$0x2];
	[bflag:$0x3] =	sbarrier.arrive $0xFFFF;
	s2 =	simm.s32 @!p0 $0x1C03  }
0x7b: {  	[timem:s3], [sflag:s2] =	dma.local @!p0 [hbm:s0], s1  }
0x7c: {  	s0 =	simm.s32 @!p0 $0x3  }
0x7d: {  	_ =	swait.ge @!p0 [sflag:s0], s1  }
0x7e: {  	s1 =	ssub.s32 @!p0 $0x0, s1;
	[sflag:s0] =	ssyncset.done @!p0 $0x0  }
0x7f: {  	[sflag:s0] =	ssyncadd.s32 @!p0 s1  }
0x80: {  	[bflag:$0x3] =	sbarrier.arrive $0xFFFF  }
0x81: {  	_ =	shalt  }

</sc_bundles>
